<compile_context>
chip_gen: v7x
topology: tpu7x:2x2x1
jax: 0.10.2.dev20260603
libtpu: 0.0.44.dev20260713+nightly
codegen_flags: <defaults>
</compile_context>

<pallas_src>
import functools

import jax
import jax.numpy as jnp
from jax import lax
from jax.experimental import pallas as pl
from jax.experimental.pallas import tpu as pltpu
from jax.experimental.pallas import tpu_sc as plsc

N = 100000
E = 1600000
F_IN = 4
H = 64
B = 64
EPS = 1e-5

NC = 2
NS = 16
NW = NC * NS
K = 512
W8 = 8

NP = 100096
RPT = NP // NS
EP = ((E + NW * K - 1) // (NW * K)) * (NW * K)
EW = EP // NW
JW = EW // K



def _sc_degree_body(dst_hbm, zeros_hbm, out_hbm, deg_sh, idxb, ones_v, stage_v):
    cid = lax.axis_index("c")
    sid = lax.axis_index("s")
    w = cid * NS + sid
    for i in range(K // 16):
        ones_v[pl.ds(i * 16, 16)] = jnp.ones((16,), jnp.float32)
    r0 = sid * RPT
    pltpu.sync_copy(zeros_hbm.at[pl.ds(r0, RPT)], stage_v)
    pltpu.sync_copy(stage_v, deg_sh.at[pl.ds(r0, RPT)])
    plsc.subcore_barrier()

    def body(j, carry):
        base = w * EW + j * K
        pltpu.sync_copy(dst_hbm.at[pl.ds(base, K)], idxb)
        pltpu.sync_copy(ones_v, deg_sh.at[idxb], add=True)
        return carry

    lax.fori_loop(0, JW, body, 0)
    plsc.subcore_barrier()
    pltpu.sync_copy(deg_sh.at[pl.ds(r0, RPT)], stage_v)
    pltpu.sync_copy(stage_v, out_hbm.at[pl.ds(cid * NP + r0, RPT)])


def _sc_adj_body(src_hbm, dst_hbm, table_hbm, zeros_hbm, out_hbm,
                 acc_sh, idxs, idxd, rows, stage_v):
    cid = lax.axis_index("c")
    sid = lax.axis_index("s")
    w = cid * NS + sid
    r0 = sid * RPT
    pltpu.sync_copy(zeros_hbm.at[pl.ds(r0, RPT), :], stage_v)
    pltpu.sync_copy(stage_v, acc_sh.at[pl.ds(r0, RPT), :])
    plsc.subcore_barrier()

    def body(j, carry):
        base = w * EW + j * K
        pltpu.sync_copy(src_hbm.at[pl.ds(base, K)], idxs)
        pltpu.sync_copy(dst_hbm.at[pl.ds(base, K)], idxd)
        pltpu.sync_copy(table_hbm.at[idxs], rows)
        pltpu.sync_copy(rows, acc_sh.at[idxd], add=True)
        return carry

    lax.fori_loop(0, JW, body, 0)
    plsc.subcore_barrier()
    pltpu.sync_copy(acc_sh.at[pl.ds(r0, RPT), :], stage_v)
    pltpu.sync_copy(stage_v, out_hbm.at[pl.ds(cid * NP + r0, RPT), :])


@functools.lru_cache(maxsize=None)
def _sc_kernels():
    mesh = plsc.VectorSubcoreMesh(core_axis_name="c", subcore_axis_name="s",
                                  num_cores=NC, num_subcores=NS)
    params = pltpu.CompilerParams(use_tc_tiling_on_sc=False)
    sc_degree = pl.kernel(
        _sc_degree_body,
        out_type=jax.ShapeDtypeStruct((NC * NP,), jnp.float32),
        mesh=mesh,
        compiler_params=params,
        scratch_types=[
            pltpu.VMEM_SHARED((NP,), jnp.float32),
            pltpu.VMEM((K,), jnp.int32),
            pltpu.VMEM((K,), jnp.float32),
            pltpu.VMEM((RPT,), jnp.float32),
        ],
    )
    sc_adj = pl.kernel(
        _sc_adj_body,
        out_type=jax.ShapeDtypeStruct((NC * NP, W8), jnp.float32),
        mesh=mesh,
        compiler_params=params,
        scratch_types=[
            pltpu.VMEM_SHARED((NP, W8), jnp.float32),
            pltpu.VMEM((K,), jnp.int32),
            pltpu.VMEM((K,), jnp.int32),
            pltpu.VMEM((K, W8), jnp.float32),
            pltpu.VMEM((RPT, W8), jnp.float32),
        ],
    )
    return sc_degree, sc_adj


def _tc1_body(xT_ref, degp_ref, g_ref, b_ref, v0T_ref, dis_ref):
    xT = xT_ref[...]
    mu = jnp.mean(xT, axis=1)
    ctr = xT - mu[:, None]
    var = jnp.mean(ctr * ctr, axis=1)
    alpha = g_ref[:, 0] * lax.rsqrt(var + EPS)
    beta = b_ref[:, 0] - mu * alpha
    deg = degp_ref[0:1, :] + degp_ref[1:2, :] + 1.0
    col = lax.broadcasted_iota(jnp.int32, (1, NP), 1)
    dism = jnp.where(col < N, lax.rsqrt(jnp.abs(deg) + 1e-9), 0.0)
    xp = jnp.pad(xT, ((0, W8 - F_IN), (0, NP - N)))
    a8 = jnp.concatenate([alpha, jnp.zeros((W8 - F_IN,), jnp.float32)])[:, None]
    b8 = jnp.concatenate(
        [beta, jnp.ones((1,), jnp.float32),
         jnp.zeros((W8 - F_IN - 1,), jnp.float32)])[:, None]
    v0T_ref[...] = (xp * a8 + b8) * dism
    dis_ref[...] = dism


def _tc2_body(accT_ref, v0T_ref, dis_ref, v1T_ref):
    t = accT_ref[:, :NP] + accT_ref[:, NP:] + v0T_ref[...]
    dism = dis_ref[...]
    u1 = t * dism
    row = lax.broadcasted_iota(jnp.int32, (W8, NP), 0)
    v1T_ref[...] = jnp.where(row == F_IN, u1, u1 * dism)


def _tc3_body(accT_ref, v1T_ref, dis_ref, batch_ref,
              W0_ref, b0_ref, W1_ref, b1_ref, bn1g_ref, bn1b_ref,
              L0W_ref, L0b_ref, L1W_ref, L1b_ref, oW_ref, ob_ref,
              out_ref):
    v1T = v1T_ref[...]
    z2T = (accT_ref[:, :NP] + accT_ref[:, NP:] + v1T) * dis_ref[...]
    row = lax.broadcasted_iota(jnp.int32, (W8, NP), 0)
    col = lax.broadcasted_iota(jnp.int32, (W8, NP), 1)
    ones_row = jnp.where(col < N, 1.0, 0.0)
    stackedT = jnp.where(row == F_IN, v1T,
                         jnp.where(row == F_IN + 1, ones_row, z2T))
    ohT = (batch_ref[...] == lax.broadcasted_iota(
        jnp.int32, (B, NP), 0)).astype(jnp.float32)
    Pt = lax.dot_general(stackedT, ohT, (((1,), (1,)), ((), ())),
                         preferred_element_type=jnp.float32,
                         precision=lax.Precision.HIGHEST)
    W01 = jnp.dot(W0_ref[...], W1_ref[...], preferred_element_type=jnp.float32, precision=lax.Precision.HIGHEST)
    pooled = (lax.dot_general(Pt[0:F_IN, :], W01, (((0,), (0,)), ((), ())),
                              preferred_element_type=jnp.float32, precision=lax.Precision.HIGHEST)
              + lax.dot_general(
                  Pt[F_IN:F_IN + 1, :],
                  jnp.dot(b0_ref[...], W1_ref[...],
                          preferred_element_type=jnp.float32, precision=lax.Precision.HIGHEST),
                  (((0,), (0,)), ((), ())),
                  preferred_element_type=jnp.float32, precision=lax.Precision.HIGHEST)
              + lax.dot_general(Pt[F_IN + 1:F_IN + 2, :], b1_ref[...],
                                (((0,), (0,)), ((), ())),
                                preferred_element_type=jnp.float32, precision=lax.Precision.HIGHEST))
    mu = jnp.mean(pooled, axis=0)
    ctr = pooled - mu[None, :]
    var = jnp.mean(ctr * ctr, axis=0)
    pb = ctr * lax.rsqrt(var + EPS)[None, :]
    pb = pb * bn1g_ref[...] + bn1b_ref[...]
    pb = jnp.dot(pb, L0W_ref[...], preferred_element_type=jnp.float32, precision=lax.Precision.HIGHEST) + L0b_ref[...]
    pb = jnp.dot(pb, L1W_ref[...], preferred_element_type=jnp.float32, precision=lax.Precision.HIGHEST) + L1b_ref[...]
    out_ref[...] = jnp.dot(pb, oW_ref[...],
                           preferred_element_type=jnp.float32, precision=lax.Precision.HIGHEST) + ob_ref[...]


def kernel(x, edge_index, batch, bn0_g, bn0_b, W0, b0, W1, b1, bn1_g, bn1_b,
           L0_W, L0_b, L1_W, L1_b, out_W, out_b):
    f32 = jnp.float32
    pad = EP - E
    pad_idx = (N + (jnp.arange(pad, dtype=jnp.int32) % 16)).astype(jnp.int32)
    src = jnp.concatenate([edge_index[0], pad_idx])
    dst = jnp.concatenate([edge_index[1], pad_idx])
    zeros_n = jnp.zeros((NP,), f32)
    zeros_n8 = jnp.zeros((NP, W8), f32)

    sc_degree, sc_adj = _sc_kernels()
    degp = sc_degree(dst, zeros_n).reshape(NC, NP)

    tc1 = pl.pallas_call(
        _tc1_body,
        out_shape=(jax.ShapeDtypeStruct((W8, NP), f32),
                   jax.ShapeDtypeStruct((1, NP), f32)),
    )
    v0T, dis = tc1(x.T, degp, bn0_g.reshape(F_IN, 1), bn0_b.reshape(F_IN, 1))
    v0 = v0T.T

    acc1 = sc_adj(src, dst, v0, zeros_n8)

    tc2 = pl.pallas_call(
        _tc2_body,
        out_shape=jax.ShapeDtypeStruct((W8, NP), f32),
    )
    v1T = tc2(acc1.T.reshape(W8, NC * NP), v0T, dis)
    v1 = v1T.T

    acc2 = sc_adj(src, dst, v1, zeros_n8)

    batch_p = jnp.pad(batch, (0, NP - N)).reshape(1, NP)
    tc3 = pl.pallas_call(
        _tc3_body,
        out_shape=jax.ShapeDtypeStruct((B, 1), f32),
    )
    out = tc3(acc2.T.reshape(W8, NC * NP), v1T, dis, batch_p,
              W0, b0.reshape(1, H), W1, b1.reshape(1, H),
              bn1_g.reshape(1, H), bn1_b.reshape(1, H),
              L0_W, L0_b.reshape(1, H), L1_W, L1_b.reshape(1, H),
              out_W, out_b.reshape(1, 1))
    return out

# --- scband reference (transcript-rebuilt; emitter-appended) ---
"""Pipeline reference for scband-gcn-77421080478261 (READ-ONLY COPY).

The authoritative reference and input builder live on the scoring server;
editing this copy changes nothing except your own understanding.
"""

import jax, jax.numpy as jnp
import numpy as np

N = 100000
E = 1600000
F_IN = 4
H = 64
B = 64
EPS = 1e-5


def setup_inputs(seed: int = 0) -> dict:
    key = jax.random.key(seed)
    ks = jax.random.split(key, 20)
    inp = {}
    inp['x'] = jax.random.normal(ks[0], (N, F_IN), dtype=jnp.float32)
    inp['edge_index'] = jax.random.randint(ks[1], (2, E), 0, N, dtype=jnp.int32)
    inp['batch'] = jnp.sort(jax.random.randint(ks[2], (N,), 0, B, dtype=jnp.int32))
    # BatchNorm(4) params
    inp['bn0_g'] = jnp.ones((F_IN,), jnp.float32)
    inp['bn0_b'] = jnp.zeros((F_IN,), jnp.float32)
    # GCNConv(4, H)
    inp['W0'] = jax.random.normal(ks[3], (F_IN, H), dtype=jnp.float32) * 0.1
    inp['b0'] = jnp.zeros((H,), jnp.float32)
    # GCNConv(H, H)
    inp['W1'] = jax.random.normal(ks[4], (H, H), dtype=jnp.float32) * 0.1
    inp['b1'] = jnp.zeros((H,), jnp.float32)
    # BatchNorm(H)
    inp['bn1_g'] = jnp.ones((H,), jnp.float32)
    inp['bn1_b'] = jnp.zeros((H,), jnp.float32)
    # two hidden Linear(H, H)
    inp['L0_W'] = jax.random.normal(ks[5], (H, H), dtype=jnp.float32) * 0.1
    inp['L0_b'] = jnp.zeros((H,), jnp.float32)
    inp['L1_W'] = jax.random.normal(ks[6], (H, H), dtype=jnp.float32) * 0.1
    inp['L1_b'] = jnp.zeros((H,), jnp.float32)
    # out Linear(H, 1)
    inp['out_W'] = jax.random.normal(ks[7], (H, 1), dtype=jnp.float32) * 0.1
    inp['out_b'] = jnp.zeros((1,), jnp.float32)
    return inp


def _batch_norm(x, g, b):
    mean = jnp.mean(x, axis=0)
    var = jnp.mean((x - mean) ** 2, axis=0)
    return (x - mean) / jnp.sqrt(var + EPS) * g + b


def _gcn_conv(x, src, dst, W, b):
    n = x.shape[0]
    loop = jnp.arange(n, dtype=src.dtype)
    s = jnp.concatenate([src, loop])
    d = jnp.concatenate([dst, loop])
    deg = jnp.zeros((n,), x.dtype).at[d].add(1.0)
    dis = jnp.where(deg > 0, deg ** -0.5, 0.0)
    norm = dis[s] * dis[d]
    h = x @ W
    msg = h[s] * norm[:, None]
    out = jnp.zeros((n, W.shape[1]), x.dtype).at[d].add(msg)
    return out + b


def reference(x, edge_index, batch, bn0_g, bn0_b, W0, b0, W1, b1, bn1_g, bn1_b, L0_W, L0_b, L1_W, L1_b, out_W, out_b):
    src = edge_index[0]
    dst = edge_index[1]
    h = _batch_norm(x, bn0_g, bn0_b)
    h = _gcn_conv(h, src, dst, W0, b0)
    h = _gcn_conv(h, src, dst, W1, b1)
    pooled = jax.ops.segment_sum(h, batch, num_segments=B)
    pooled = _batch_norm(pooled, bn1_g, bn1_b)
    pooled = pooled @ L0_W + L0_b
    pooled = pooled @ L1_W + L1_b
    out = pooled @ out_W + out_b
    return out

if __name__ == "__main__":
    import jax
    _d = setup_inputs()
    print(jax.jit(kernel)(*tuple(_d.values())))

</pallas_src>

<mosaic_0001>
#map = affine_map<(d0, d1) -> (0)>
#map1 = affine_map<(d0, d1) -> (0, 0)>
module attributes {stable_mosaic.version = 14 : i64} {
  func.func @_sc_adj_body(%arg0: i32, %arg1: i32, %arg2: memref<1605632xi32, #tpu.memory_space<hbm>>, %arg3: memref<1605632xi32, #tpu.memory_space<hbm>>, %arg4: memref<100096x8xf32, #tpu.memory_space<hbm>>, %arg5: memref<100096x8xf32, #tpu.memory_space<hbm>>, %arg6: memref<200192x8xf32, #tpu.memory_space<hbm>>, %arg7: memref<100096x8xf32, #tpu.memory_space<vmem_shared>>, %arg8: memref<512xi32, #tpu.memory_space<vmem>>, %arg9: memref<512xi32, #tpu.memory_space<vmem>>, %arg10: memref<512x8xf32, #tpu.memory_space<vmem>>, %arg11: memref<6256x8xf32, #tpu.memory_space<vmem>>) attributes {dimension_semantics = [#tpu.dimension_semantics<core_parallel>, #tpu.dimension_semantics<subcore_parallel>], iteration_bounds = array<i64: 2, 16>, scalar_prefetch = 0 : i64, scratch_operands = 5 : i64, tpu.core_type = #tpu.core_type<sc_vector_subcore>, window_params = [{transform_indices = #map}, {transform_indices = #map}, {transform_indices = #map1}, {transform_indices = #map1}, {transform_indices = #map1}]} {
    %mul3A = arith.constant 16 : i32
    %mul3A_0 = arith.muli %arg0, %mul3A : i32
    %add3A = arith.addi %mul3A_0, %arg1 : i32
    %mul3A_1 = arith.constant 6256 : i32
    %mul3A_2 = arith.muli %arg1, %mul3A_1 : i32
    "tpu.region"() ({
      %run_scoped3A = tpu.sem_alloc : memref<!tpu.dma_semaphore, #tpu.memory_space<semaphore_mem>>
      %dma_start3A = arith.constant 0 : i32
      %dma_start3A_12 = tpu.memref_slice %arg5[%mul3A_2, %dma_start3A] : memref<100096x8xf32, #tpu.memory_space<hbm>> -> memref<6256x8xf32, #tpu.memory_space<hbm>>
      %dma_start3A_13 = arith.constant 0 : i32
      %dma_start3A_14 = tpu.memref_slice %arg5[%mul3A_2, %dma_start3A_13] : memref<100096x8xf32, #tpu.memory_space<hbm>> -> memref<6256x8xf32, #tpu.memory_space<hbm>>
      tpu.enqueue_dma source(%dma_start3A_14 : memref<6256x8xf32, #tpu.memory_space<hbm>>) target(%arg11 : memref<6256x8xf32, #tpu.memory_space<vmem>>) target_semaphore(%run_scoped3A : memref<!tpu.dma_semaphore, #tpu.memory_space<semaphore_mem>>)
      %dma_wait3A = arith.constant 0 : i32
      %dma_wait3A_15 = tpu.memref_slice %arg5[%mul3A_2, %dma_wait3A] : memref<100096x8xf32, #tpu.memory_space<hbm>> -> memref<6256x8xf32, #tpu.memory_space<hbm>>
      %dma_wait3A_16 = arith.constant 0 : i32
      %dma_wait3A_17 = tpu.memref_slice %arg5[%mul3A_2, %dma_wait3A_16] : memref<100096x8xf32, #tpu.memory_space<hbm>> -> memref<6256x8xf32, #tpu.memory_space<hbm>>
      tpu.wait_dma2 semaphore(%run_scoped3A : memref<!tpu.dma_semaphore, #tpu.memory_space<semaphore_mem>>) src(%dma_wait3A_17 : memref<6256x8xf32, #tpu.memory_space<hbm>>) dst(%arg11 : memref<6256x8xf32, #tpu.memory_space<vmem>>)
      tpu.yield
    }) : () -> ()
    "tpu.region"() ({
      %run_scoped3A = tpu.sem_alloc : memref<!tpu.dma_semaphore, #tpu.memory_space<semaphore_mem>>
      %dma_start3A = arith.constant 0 : i32
      %dma_start3A_12 = tpu.memref_slice %arg7[%mul3A_2, %dma_start3A] : memref<100096x8xf32, #tpu.memory_space<vmem_shared>> -> memref<6256x8xf32, #tpu.memory_space<vmem_shared>>
      %dma_start3A_13 = arith.constant 0 : i32
      %dma_start3A_14 = tpu.memref_slice %arg7[%mul3A_2, %dma_start3A_13] : memref<100096x8xf32, #tpu.memory_space<vmem_shared>> -> memref<6256x8xf32, #tpu.memory_space<vmem_shared>>
      tpu.enqueue_dma source(%arg11 : memref<6256x8xf32, #tpu.memory_space<vmem>>) target(%dma_start3A_14 : memref<6256x8xf32, #tpu.memory_space<vmem_shared>>) target_semaphore(%run_scoped3A : memref<!tpu.dma_semaphore, #tpu.memory_space<semaphore_mem>>)
      %dma_wait3A = arith.constant 0 : i32
      %dma_wait3A_15 = tpu.memref_slice %arg7[%mul3A_2, %dma_wait3A] : memref<100096x8xf32, #tpu.memory_space<vmem_shared>> -> memref<6256x8xf32, #tpu.memory_space<vmem_shared>>
      %dma_wait3A_16 = arith.constant 0 : i32
      %dma_wait3A_17 = tpu.memref_slice %arg7[%mul3A_2, %dma_wait3A_16] : memref<100096x8xf32, #tpu.memory_space<vmem_shared>> -> memref<6256x8xf32, #tpu.memory_space<vmem_shared>>
      tpu.wait_dma2 semaphore(%run_scoped3A : memref<!tpu.dma_semaphore, #tpu.memory_space<semaphore_mem>>) src(%arg11 : memref<6256x8xf32, #tpu.memory_space<vmem>>) dst(%dma_wait3A_17 : memref<6256x8xf32, #tpu.memory_space<vmem_shared>>)
      tpu.yield
    }) : () -> ()
    %barrier3A = arith.constant 0 : index
    tpu.barrier barrier_id(%barrier3A)
    %scan3A = arith.constant 0 : i32
    %scan3A_3 = arith.constant 0 : i32
    %scan3A_4 = arith.constant 98 : i32
    %scan3A_5 = arith.addi %scan3A_3, %scan3A_4 : i32
    %scan3A_6 = arith.constant 1 : i32
    scf.for %scan3A_12 = %scan3A_3 to %scan3A_5 step %scan3A_6  : i32 {
      %mul3A_13 = arith.constant 50176 : i32
      %mul3A_14 = arith.muli %add3A, %mul3A_13 : i32
      %mul3A_15 = arith.constant 512 : i32
      %mul3A_16 = arith.muli %scan3A_12, %mul3A_15 : i32
      %add3A_17 = arith.addi %mul3A_14, %mul3A_16 : i32
      "tpu.region"() ({
        %run_scoped3A = tpu.sem_alloc : memref<!tpu.dma_semaphore, #tpu.memory_space<semaphore_mem>>
        %dma_start3A = tpu.memref_slice %arg2[%add3A_17] : memref<1605632xi32, #tpu.memory_space<hbm>> -> memref<512xi32, #tpu.memory_space<hbm>>
        %dma_start3A_18 = tpu.memref_slice %arg2[%add3A_17] : memref<1605632xi32, #tpu.memory_space<hbm>> -> memref<512xi32, #tpu.memory_space<hbm>>
        tpu.enqueue_dma source(%dma_start3A_18 : memref<512xi32, #tpu.memory_space<hbm>>) target(%arg8 : memref<512xi32, #tpu.memory_space<vmem>>) target_semaphore(%run_scoped3A : memref<!tpu.dma_semaphore, #tpu.memory_space<semaphore_mem>>)
        %dma_wait3A = tpu.memref_slice %arg2[%add3A_17] : memref<1605632xi32, #tpu.memory_space<hbm>> -> memref<512xi32, #tpu.memory_space<hbm>>
        %dma_wait3A_19 = tpu.memref_slice %arg2[%add3A_17] : memref<1605632xi32, #tpu.memory_space<hbm>> -> memref<512xi32, #tpu.memory_space<hbm>>
        tpu.wait_dma2 semaphore(%run_scoped3A : memref<!tpu.dma_semaphore, #tpu.memory_space<semaphore_mem>>) src(%dma_wait3A_19 : memref<512xi32, #tpu.memory_space<hbm>>) dst(%arg8 : memref<512xi32, #tpu.memory_space<vmem>>)
        tpu.yield
      }) : () -> ()
      "tpu.region"() ({
        %run_scoped3A = tpu.sem_alloc : memref<!tpu.dma_semaphore, #tpu.memory_space<semaphore_mem>>
        %dma_start3A = tpu.memref_slice %arg3[%add3A_17] : memref<1605632xi32, #tpu.memory_space<hbm>> -> memref<512xi32, #tpu.memory_space<hbm>>
        %dma_start3A_18 = tpu.memref_slice %arg3[%add3A_17] : memref<1605632xi32, #tpu.memory_space<hbm>> -> memref<512xi32, #tpu.memory_space<hbm>>
        tpu.enqueue_dma source(%dma_start3A_18 : memref<512xi32, #tpu.memory_space<hbm>>) target(%arg9 : memref<512xi32, #tpu.memory_space<vmem>>) target_semaphore(%run_scoped3A : memref<!tpu.dma_semaphore, #tpu.memory_space<semaphore_mem>>)
        %dma_wait3A = tpu.memref_slice %arg3[%add3A_17] : memref<1605632xi32, #tpu.memory_space<hbm>> -> memref<512xi32, #tpu.memory_space<hbm>>
        %dma_wait3A_19 = tpu.memref_slice %arg3[%add3A_17] : memref<1605632xi32, #tpu.memory_space<hbm>> -> memref<512xi32, #tpu.memory_space<hbm>>
        tpu.wait_dma2 semaphore(%run_scoped3A : memref<!tpu.dma_semaphore, #tpu.memory_space<semaphore_mem>>) src(%dma_wait3A_19 : memref<512xi32, #tpu.memory_space<hbm>>) dst(%arg9 : memref<512xi32, #tpu.memory_space<vmem>>)
        tpu.yield
      }) : () -> ()
      "tpu.region"() ({
        %run_scoped3A = tpu.sem_alloc : memref<!tpu.dma_semaphore, #tpu.memory_space<semaphore_mem>>
        %dma_start3A = arith.constant 0 : i32
        %dma_start3A_18 = arith.constant 0 : i32
        %dma_start3A_19 = tpu.memref_slice %arg4[%dma_start3A, %dma_start3A_18] : memref<100096x8xf32, #tpu.memory_space<hbm>> -> memref<100096x8xf32, #tpu.memory_space<hbm>>
        tpu.enqueue_indirect_dma source(%dma_start3A_19 : memref<100096x8xf32, #tpu.memory_space<hbm>>) target(%arg10 : memref<512x8xf32, #tpu.memory_space<vmem>>) offsets(%arg8 : memref<512xi32, #tpu.memory_space<vmem>>) semaphore(%run_scoped3A : memref<!tpu.dma_semaphore, #tpu.memory_space<semaphore_mem>>)
        %dma_wait3A = arith.constant 0 : i32
        %dma_wait3A_20 = arith.constant 0 : i32
        %dma_wait3A_21 = tpu.memref_slice %arg4[%dma_wait3A, %dma_wait3A_20] : memref<100096x8xf32, #tpu.memory_space<hbm>> -> memref<100096x8xf32, #tpu.memory_space<hbm>>
        tpu.wait_indirect_dma semaphore(%run_scoped3A : memref<!tpu.dma_semaphore, #tpu.memory_space<semaphore_mem>>) src(%dma_wait3A_21 : memref<100096x8xf32, #tpu.memory_space<hbm>>) dst(%arg10 : memref<512x8xf32, #tpu.memory_space<vmem>>)
        tpu.yield
      }) : () -> ()
      "tpu.region"() ({
        %run_scoped3A = tpu.sem_alloc : memref<!tpu.dma_semaphore, #tpu.memory_space<semaphore_mem>>
        %dma_start3A = arith.constant 0 : i32
        %dma_start3A_18 = arith.constant 0 : i32
        %dma_start3A_19 = tpu.memref_slice %arg7[%dma_start3A, %dma_start3A_18] : memref<100096x8xf32, #tpu.memory_space<vmem_shared>> -> memref<100096x8xf32, #tpu.memory_space<vmem_shared>>
        tpu.enqueue_indirect_dma source(%arg10 : memref<512x8xf32, #tpu.memory_space<vmem>>) target(%dma_start3A_19 : memref<100096x8xf32, #tpu.memory_space<vmem_shared>>) offsets(%arg9 : memref<512xi32, #tpu.memory_space<vmem>>) semaphore(%run_scoped3A : memref<!tpu.dma_semaphore, #tpu.memory_space<semaphore_mem>>) {add = true}
        %dma_wait3A = arith.constant 0 : i32
        %dma_wait3A_20 = arith.constant 0 : i32
        %dma_wait3A_21 = tpu.memref_slice %arg7[%dma_wait3A, %dma_wait3A_20] : memref<100096x8xf32, #tpu.memory_space<vmem_shared>> -> memref<100096x8xf32, #tpu.memory_space<vmem_shared>>
        tpu.wait_indirect_dma semaphore(%run_scoped3A : memref<!tpu.dma_semaphore, #tpu.memory_space<semaphore_mem>>) src(%arg10 : memref<512x8xf32, #tpu.memory_space<vmem>>) dst(%dma_wait3A_21 : memref<100096x8xf32, #tpu.memory_space<vmem_shared>>)
        tpu.yield
      }) : () -> ()
    }
    %scan3A_7 = arith.constant 98 : i32
    %barrier3A_8 = arith.constant 0 : index
    tpu.barrier barrier_id(%barrier3A_8)
    "tpu.region"() ({
      %run_scoped3A = tpu.sem_alloc : memref<!tpu.dma_semaphore, #tpu.memory_space<semaphore_mem>>
      %dma_start3A = arith.constant 0 : i32
      %dma_start3A_12 = tpu.memref_slice %arg7[%mul3A_2, %dma_start3A] : memref<100096x8xf32, #tpu.memory_space<vmem_shared>> -> memref<6256x8xf32, #tpu.memory_space<vmem_shared>>
      %dma_start3A_13 = arith.constant 0 : i32
      %dma_start3A_14 = tpu.memref_slice %arg7[%mul3A_2, %dma_start3A_13] : memref<100096x8xf32, #tpu.memory_space<vmem_shared>> -> memref<6256x8xf32, #tpu.memory_space<vmem_shared>>
      tpu.enqueue_dma source(%dma_start3A_14 : memref<6256x8xf32, #tpu.memory_space<vmem_shared>>) target(%arg11 : memref<6256x8xf32, #tpu.memory_space<vmem>>) target_semaphore(%run_scoped3A : memref<!tpu.dma_semaphore, #tpu.memory_space<semaphore_mem>>)
      %dma_wait3A = arith.constant 0 : i32
      %dma_wait3A_15 = tpu.memref_slice %arg7[%mul3A_2, %dma_wait3A] : memref<100096x8xf32, #tpu.memory_space<vmem_shared>> -> memref<6256x8xf32, #tpu.memory_space<vmem_shared>>
      %dma_wait3A_16 = arith.constant 0 : i32
      %dma_wait3A_17 = tpu.memref_slice %arg7[%mul3A_2, %dma_wait3A_16] : memref<100096x8xf32, #tpu.memory_space<vmem_shared>> -> memref<6256x8xf32, #tpu.memory_space<vmem_shared>>
      tpu.wait_dma2 semaphore(%run_scoped3A : memref<!tpu.dma_semaphore, #tpu.memory_space<semaphore_mem>>) src(%dma_wait3A_17 : memref<6256x8xf32, #tpu.memory_space<vmem_shared>>) dst(%arg11 : memref<6256x8xf32, #tpu.memory_space<vmem>>)
      tpu.yield
    }) : () -> ()
    %mul3A_9 = arith.constant 100096 : i32
    %mul3A_10 = arith.muli %arg0, %mul3A_9 : i32
    %add3A_11 = arith.addi %mul3A_10, %mul3A_2 : i32
    "tpu.region"() ({
      %run_scoped3A = tpu.sem_alloc : memref<!tpu.dma_semaphore, #tpu.memory_space<semaphore_mem>>
      %dma_start3A = arith.constant 0 : i32
      %dma_start3A_12 = tpu.memref_slice %arg6[%add3A_11, %dma_start3A] : memref<200192x8xf32, #tpu.memory_space<hbm>> -> memref<6256x8xf32, #tpu.memory_space<hbm>>
      %dma_start3A_13 = arith.constant 0 : i32
      %dma_start3A_14 = tpu.memref_slice %arg6[%add3A_11, %dma_start3A_13] : memref<200192x8xf32, #tpu.memory_space<hbm>> -> memref<6256x8xf32, #tpu.memory_space<hbm>>
      tpu.enqueue_dma source(%arg11 : memref<6256x8xf32, #tpu.memory_space<vmem>>) target(%dma_start3A_14 : memref<6256x8xf32, #tpu.memory_space<hbm>>) target_semaphore(%run_scoped3A : memref<!tpu.dma_semaphore, #tpu.memory_space<semaphore_mem>>)
      %dma_wait3A = arith.constant 0 : i32
      %dma_wait3A_15 = tpu.memref_slice %arg6[%add3A_11, %dma_wait3A] : memref<200192x8xf32, #tpu.memory_space<hbm>> -> memref<6256x8xf32, #tpu.memory_space<hbm>>
      %dma_wait3A_16 = arith.constant 0 : i32
      %dma_wait3A_17 = tpu.memref_slice %arg6[%add3A_11, %dma_wait3A_16] : memref<200192x8xf32, #tpu.memory_space<hbm>> -> memref<6256x8xf32, #tpu.memory_space<hbm>>
      tpu.wait_dma2 semaphore(%run_scoped3A : memref<!tpu.dma_semaphore, #tpu.memory_space<semaphore_mem>>) src(%arg11 : memref<6256x8xf32, #tpu.memory_space<vmem>>) dst(%dma_wait3A_17 : memref<6256x8xf32, #tpu.memory_space<hbm>>)
      tpu.yield
    }) : () -> ()
    return
  }
}

#map = affine_map<(d0, d1) -> (0)>
module attributes {stable_mosaic.version = 14 : i64} {
  func.func @_sc_degree_body(%arg0: i32, %arg1: i32, %arg2: memref<1605632xi32, #tpu.memory_space<hbm>>, %arg3: memref<100096xf32, #tpu.memory_space<hbm>>, %arg4: memref<200192xf32, #tpu.memory_space<hbm>>, %arg5: memref<100096xf32, #tpu.memory_space<vmem_shared>>, %arg6: memref<512xi32, #tpu.memory_space<vmem>>, %arg7: memref<512xf32, #tpu.memory_space<vmem>>, %arg8: memref<6256xf32, #tpu.memory_space<vmem>>) attributes {dimension_semantics = [#tpu.dimension_semantics<core_parallel>, #tpu.dimension_semantics<subcore_parallel>], iteration_bounds = array<i64: 2, 16>, scalar_prefetch = 0 : i64, scratch_operands = 4 : i64, tpu.core_type = #tpu.core_type<sc_vector_subcore>, window_params = [{transform_indices = #map}, {transform_indices = #map}, {transform_indices = #map}]} {
    %mul3A = arith.constant 16 : i32
    %mul3A_0 = arith.muli %arg0, %mul3A : i32
    %add3A = arith.addi %mul3A_0, %arg1 : i32
    %broadcast_in_dim3A = arith.constant 1.000000e+00 : f32
    %broadcast_in_dim3A_1 = vector.broadcast %broadcast_in_dim3A : f32 to vector<16xf32>
    %swap3A = arith.constant 0 : index
    %swap3A_2 = tpu.vector_load %arg7[%swap3A] {strides = array<i32>} : memref<512xf32, #tpu.memory_space<vmem>>, vector<16xf32>,
    %swap3A_3 = vector.shape_cast %swap3A_2 : vector<16xf32> to vector<16xf32>
    %swap3A_4 = vector.shape_cast %broadcast_in_dim3A_1 : vector<16xf32> to vector<16xf32>
    tpu.vector_store %arg7[%swap3A], %swap3A_4 {strides = array<i32>} : memref<512xf32, #tpu.memory_space<vmem>>, vector<16xf32>,
    %broadcast_in_dim3A_5 = arith.constant 1.000000e+00 : f32
    %broadcast_in_dim3A_6 = vector.broadcast %broadcast_in_dim3A_5 : f32 to vector<16xf32>
    %swap3A_7 = arith.constant 16 : index
    %swap3A_8 = tpu.vector_load %arg7[%swap3A_7] {strides = array<i32>} : memref<512xf32, #tpu.memory_space<vmem>>, vector<16xf32>,
    %swap3A_9 = vector.shape_cast %swap3A_8 : vector<16xf32> to vector<16xf32>
    %swap3A_10 = vector.shape_cast %broadcast_in_dim3A_6 : vector<16xf32> to vector<16xf32>
    tpu.vector_store %arg7[%swap3A_7], %swap3A_10 {strides = array<i32>} : memref<512xf32, #tpu.memory_space<vmem>>, vector<16xf32>,
    %broadcast_in_dim3A_11 = arith.constant 1.000000e+00 : f32
    %broadcast_in_dim3A_12 = vector.broadcast %broadcast_in_dim3A_11 : f32 to vector<16xf32>
    %swap3A_13 = arith.constant 32 : index
    %swap3A_14 = tpu.vector_load %arg7[%swap3A_13] {strides = array<i32>} : memref<512xf32, #tpu.memory_space<vmem>>, vector<16xf32>,
    %swap3A_15 = vector.shape_cast %swap3A_14 : vector<16xf32> to vector<16xf32>
    %swap3A_16 = vector.shape_cast %broadcast_in_dim3A_12 : vector<16xf32> to vector<16xf32>
    tpu.vector_store %arg7[%swap3A_13], %swap3A_16 {strides = array<i32>} : memref<512xf32, #tpu.memory_space<vmem>>, vector<16xf32>,
    %broadcast_in_dim3A_17 = arith.constant 1.000000e+00 : f32
    %broadcast_in_dim3A_18 = vector.broadcast %broadcast_in_dim3A_17 : f32 to vector<16xf32>
    %swap3A_19 = arith.constant 48 : index
    %swap3A_20 = tpu.vector_load %arg7[%swap3A_19] {strides = array<i32>} : memref<512xf32, #tpu.memory_space<vmem>>, vector<16xf32>,
    %swap3A_21 = vector.shape_cast %swap3A_20 : vector<16xf32> to vector<16xf32>
    %swap3A_22 = vector.shape_cast %broadcast_in_dim3A_18 : vector<16xf32> to vector<16xf32>
    tpu.vector_store %arg7[%swap3A_19], %swap3A_22 {strides = array<i32>} : memref<512xf32, #tpu.memory_space<vmem>>, vector<16xf32>,
    %broadcast_in_dim3A_23 = arith.constant 1.000000e+00 : f32
    %broadcast_in_dim3A_24 = vector.broadcast %broadcast_in_dim3A_23 : f32 to vector<16xf32>
    %swap3A_25 = arith.constant 64 : index
    %swap3A_26 = tpu.vector_load %arg7[%swap3A_25] {strides = array<i32>} : memref<512xf32, #tpu.memory_space<vmem>>, vector<16xf32>,
    %swap3A_27 = vector.shape_cast %swap3A_26 : vector<16xf32> to vector<16xf32>
    %swap3A_28 = vector.shape_cast %broadcast_in_dim3A_24 : vector<16xf32> to vector<16xf32>
    tpu.vector_store %arg7[%swap3A_25], %swap3A_28 {strides = array<i32>} : memref<512xf32, #tpu.memory_space<vmem>>, vector<16xf32>,
    %broadcast_in_dim3A_29 = arith.constant 1.000000e+00 : f32
    %broadcast_in_dim3A_30 = vector.broadcast %broadcast_in_dim3A_29 : f32 to vector<16xf32>
    %swap3A_31 = arith.constant 80 : index
    %swap3A_32 = tpu.vector_load %arg7[%swap3A_31] {strides = array<i32>} : memref<512xf32, #tpu.memory_space<vmem>>, vector<16xf32>,
    %swap3A_33 = vector.shape_cast %swap3A_32 : vector<16xf32> to vector<16xf32>
    %swap3A_34 = vector.shape_cast %broadcast_in_dim3A_30 : vector<16xf32> to vector<16xf32>
    tpu.vector_store %arg7[%swap3A_31], %swap3A_34 {strides = array<i32>} : memref<512xf32, #tpu.memory_space<vmem>>, vector<16xf32>,
    %broadcast_in_dim3A_35 = arith.constant 1.000000e+00 : f32
    %broadcast_in_dim3A_36 = vector.broadcast %broadcast_in_dim3A_35 : f32 to vector<16xf32>
    %swap3A_37 = arith.constant 96 : index
    %swap3A_38 = tpu.vector_load %arg7[%swap3A_37] {strides = array<i32>} : memref<512xf32, #tpu.memory_space<vmem>>, vector<16xf32>,
    %swap3A_39 = vector.shape_cast %swap3A_38 : vector<16xf32> to vector<16xf32>
    %swap3A_40 = vector.shape_cast %broadcast_in_dim3A_36 : vector<16xf32> to vector<16xf32>
    tpu.vector_store %arg7[%swap3A_37], %swap3A_40 {strides = array<i32>} : memref<512xf32, #tpu.memory_space<vmem>>, vector<16xf32>,
    %broadcast_in_dim3A_41 = arith.constant 1.000000e+00 : f32
    %broadcast_in_dim3A_42 = vector.broadcast %broadcast_in_dim3A_41 : f32 to vector<16xf32>
    %swap3A_43 = arith.constant 112 : index
    %swap3A_44 = tpu.vector_load %arg7[%swap3A_43] {strides = array<i32>} : memref<512xf32, #tpu.memory_space<vmem>>, vector<16xf32>,
    %swap3A_45 = vector.shape_cast %swap3A_44 : vector<16xf32> to vector<16xf32>
    %swap3A_46 = vector.shape_cast %broadcast_in_dim3A_42 : vector<16xf32> to vector<16xf32>
    tpu.vector_store %arg7[%swap3A_43], %swap3A_46 {strides = array<i32>} : memref<512xf32, #tpu.memory_space<vmem>>, vector<16xf32>,
    %broadcast_in_dim3A_47 = arith.constant 1.000000e+00 : f32
    %broadcast_in_dim3A_48 = vector.broadcast %broadcast_in_dim3A_47 : f32 to vector<16xf32>
    %swap3A_49 = arith.constant 128 : index
    %swap3A_50 = tpu.vector_load %arg7[%swap3A_49] {strides = array<i32>} : memref<512xf32, #tpu.memory_space<vmem>>, vector<16xf32>,
    %swap3A_51 = vector.shape_cast %swap3A_50 : vector<16xf32> to vector<16xf32>
    %swap3A_52 = vector.shape_cast %broadcast_in_dim3A_48 : vector<16xf32> to vector<16xf32>
    tpu.vector_store %arg7[%swap3A_49], %swap3A_52 {strides = array<i32>} : memref<512xf32, #tpu.memory_space<vmem>>, vector<16xf32>,
    %broadcast_in_dim3A_53 = arith.constant 1.000000e+00 : f32
    %broadcast_in_dim3A_54 = vector.broadcast %broadcast_in_dim3A_53 : f32 to vector<16xf32>
    %swap3A_55 = arith.constant 144 : index
    %swap3A_56 = tpu.vector_load %arg7[%swap3A_55] {strides = array<i32>} : memref<512xf32, #tpu.memory_space<vmem>>, vector<16xf32>,
    %swap3A_57 = vector.shape_cast %swap3A_56 : vector<16xf32> to vector<16xf32>
    %swap3A_58 = vector.shape_cast %broadcast_in_dim3A_54 : vector<16xf32> to vector<16xf32>
    tpu.vector_store %arg7[%swap3A_55], %swap3A_58 {strides = array<i32>} : memref<512xf32, #tpu.memory_space<vmem>>, vector<16xf32>,
    %broadcast_in_dim3A_59 = arith.constant 1.000000e+00 : f32
    %broadcast_in_dim3A_60 = vector.broadcast %broadcast_in_dim3A_59 : f32 to vector<16xf32>
    %swap3A_61 = arith.constant 160 : index
    %swap3A_62 = tpu.vector_load %arg7[%swap3A_61] {strides = array<i32>} : memref<512xf32, #tpu.memory_space<vmem>>, vector<16xf32>,
    %swap3A_63 = vector.shape_cast %swap3A_62 : vector<16xf32> to vector<16xf32>
    %swap3A_64 = vector.shape_cast %broadcast_in_dim3A_60 : vector<16xf32> to vector<16xf32>
    tpu.vector_store %arg7[%swap3A_61], %swap3A_64 {strides = array<i32>} : memref<512xf32, #tpu.memory_space<vmem>>, vector<16xf32>,
    %broadcast_in_dim3A_65 = arith.constant 1.000000e+00 : f32
    %broadcast_in_dim3A_66 = vector.broadcast %broadcast_in_dim3A_65 : f32 to vector<16xf32>
    %swap3A_67 = arith.constant 176 : index
    %swap3A_68 = tpu.vector_load %arg7[%swap3A_67] {strides = array<i32>} : memref<512xf32, #tpu.memory_space<vmem>>, vector<16xf32>,
    %swap3A_69 = vector.shape_cast %swap3A_68 : vector<16xf32> to vector<16xf32>
    %swap3A_70 = vector.shape_cast %broadcast_in_dim3A_66 : vector<16xf32> to vector<16xf32>
    tpu.vector_store %arg7[%swap3A_67], %swap3A_70 {strides = array<i32>} : memref<512xf32, #tpu.memory_space<vmem>>, vector<16xf32>,
    %broadcast_in_dim3A_71 = arith.constant 1.000000e+00 : f32
    %broadcast_in_dim3A_72 = vector.broadcast %broadcast_in_dim3A_71 : f32 to vector<16xf32>
    %swap3A_73 = arith.constant 192 : index
    %swap3A_74 = tpu.vector_load %arg7[%swap3A_73] {strides = array<i32>} : memref<512xf32, #tpu.memory_space<vmem>>, vector<16xf32>,
    %swap3A_75 = vector.shape_cast %swap3A_74 : vector<16xf32> to vector<16xf32>
    %swap3A_76 = vector.shape_cast %broadcast_in_dim3A_72 : vector<16xf32> to vector<16xf32>
    tpu.vector_store %arg7[%swap3A_73], %swap3A_76 {strides = array<i32>} : memref<512xf32, #tpu.memory_space<vmem>>, vector<16xf32>,
    %broadcast_in_dim3A_77 = arith.constant 1.000000e+00 : f32
    %broadcast_in_dim3A_78 = vector.broadcast %broadcast_in_dim3A_77 : f32 to vector<16xf32>
    %swap3A_79 = arith.constant 208 : index
    %swap3A_80 = tpu.vector_load %arg7[%swap3A_79] {strides = array<i32>} : memref<512xf32, #tpu.memory_space<vmem>>, vector<16xf32>,
    %swap3A_81 = vector.shape_cast %swap3A_80 : vector<16xf32> to vector<16xf32>
    %swap3A_82 = vector.shape_cast %broadcast_in_dim3A_78 : vector<16xf32> to vector<16xf32>
    tpu.vector_store %arg7[%swap3A_79], %swap3A_82 {strides = array<i32>} : memref<512xf32, #tpu.memory_space<vmem>>, vector<16xf32>,
    %broadcast_in_dim3A_83 = arith.constant 1.000000e+00 : f32
    %broadcast_in_dim3A_84 = vector.broadcast %broadcast_in_dim3A_83 : f32 to vector<16xf32>
    %swap3A_85 = arith.constant 224 : index
    %swap3A_86 = tpu.vector_load %arg7[%swap3A_85] {strides = array<i32>} : memref<512xf32, #tpu.memory_space<vmem>>, vector<16xf32>,
    %swap3A_87 = vector.shape_cast %swap3A_86 : vector<16xf32> to vector<16xf32>
    %swap3A_88 = vector.shape_cast %broadcast_in_dim3A_84 : vector<16xf32> to vector<16xf32>
    tpu.vector_store %arg7[%swap3A_85], %swap3A_88 {strides = array<i32>} : memref<512xf32, #tpu.memory_space<vmem>>, vector<16xf32>,
    %broadcast_in_dim3A_89 = arith.constant 1.000000e+00 : f32
    %broadcast_in_dim3A_90 = vector.broadcast %broadcast_in_dim3A_89 : f32 to vector<16xf32>
    %swap3A_91 = arith.constant 240 : index
    %swap3A_92 = tpu.vector_load %arg7[%swap3A_91] {strides = array<i32>} : memref<512xf32, #tpu.memory_space<vmem>>, vector<16xf32>,
    %swap3A_93 = vector.shape_cast %swap3A_92 : vector<16xf32> to vector<16xf32>
    %swap3A_94 = vector.shape_cast %broadcast_in_dim3A_90 : vector<16xf32> to vector<16xf32>
    tpu.vector_store %arg7[%swap3A_91], %swap3A_94 {strides = array<i32>} : memref<512xf32, #tpu.memory_space<vmem>>, vector<16xf32>,
    %broadcast_in_dim3A_95 = arith.constant 1.000000e+00 : f32
    %broadcast_in_dim3A_96 = vector.broadcast %broadcast_in_dim3A_95 : f32 to vector<16xf32>
    %swap3A_97 = arith.constant 256 : index
    %swap3A_98 = tpu.vector_load %arg7[%swap3A_97] {strides = array<i32>} : memref<512xf32, #tpu.memory_space<vmem>>, vector<16xf32>,
    %swap3A_99 = vector.shape_cast %swap3A_98 : vector<16xf32> to vector<16xf32>
    %swap3A_100 = vector.shape_cast %broadcast_in_dim3A_96 : vector<16xf32> to vector<16xf32>
    tpu.vector_store %arg7[%swap3A_97], %swap3A_100 {strides = array<i32>} : memref<512xf32, #tpu.memory_space<vmem>>, vector<16xf32>,
    %broadcast_in_dim3A_101 = arith.constant 1.000000e+00 : f32
    %broadcast_in_dim3A_102 = vector.broadcast %broadcast_in_dim3A_101 : f32 to vector<16xf32>
    %swap3A_103 = arith.constant 272 : index
    %swap3A_104 = tpu.vector_load %arg7[%swap3A_103] {strides = array<i32>} : memref<512xf32, #tpu.memory_space<vmem>>, vector<16xf32>,
    %swap3A_105 = vector.shape_cast %swap3A_104 : vector<16xf32> to vector<16xf32>
    %swap3A_106 = vector.shape_cast %broadcast_in_dim3A_102 : vector<16xf32> to vector<16xf32>
    tpu.vector_store %arg7[%swap3A_103], %swap3A_106 {strides = array<i32>} : memref<512xf32, #tpu.memory_space<vmem>>, vector<16xf32>,
    %broadcast_in_dim3A_107 = arith.constant 1.000000e+00 : f32
    %broadcast_in_dim3A_108 = vector.broadcast %broadcast_in_dim3A_107 : f32 to vector<16xf32>
    %swap3A_109 = arith.constant 288 : index
    %swap3A_110 = tpu.vector_load %arg7[%swap3A_109] {strides = array<i32>} : memref<512xf32, #tpu.memory_space<vmem>>, vector<16xf32>,
    %swap3A_111 = vector.shape_cast %swap3A_110 : vector<16xf32> to vector<16xf32>
    %swap3A_112 = vector.shape_cast %broadcast_in_dim3A_108 : vector<16xf32> to vector<16xf32>
    tpu.vector_store %arg7[%swap3A_109], %swap3A_112 {strides = array<i32>} : memref<512xf32, #tpu.memory_space<vmem>>, vector<16xf32>,
    %broadcast_in_dim3A_113 = arith.constant 1.000000e+00 : f32
    %broadcast_in_dim3A_114 = vector.broadcast %broadcast_in_dim3A_113 : f32 to vector<16xf32>
    %swap3A_115 = arith.constant 304 : index
    %swap3A_116 = tpu.vector_load %arg7[%swap3A_115] {strides = array<i32>} : memref<512xf32, #tpu.memory_space<vmem>>, vector<16xf32>,
    %swap3A_117 = vector.shape_cast %swap3A_116 : vector<16xf32> to vector<16xf32>
    %swap3A_118 = vector.shape_cast %broadcast_in_dim3A_114 : vector<16xf32> to vector<16xf32>
    tpu.vector_store %arg7[%swap3A_115], %swap3A_118 {strides = array<i32>} : memref<512xf32, #tpu.memory_space<vmem>>, vector<16xf32>,
    %broadcast_in_dim3A_119 = arith.constant 1.000000e+00 : f32
    %broadcast_in_dim3A_120 = vector.broadcast %broadcast_in_dim3A_119 : f32 to vector<16xf32>
    %swap3A_121 = arith.constant 320 : index
    %swap3A_122 = tpu.vector_load %arg7[%swap3A_121] {strides = array<i32>} : memref<512xf32, #tpu.memory_space<vmem>>, vector<16xf32>,
    %swap3A_123 = vector.shape_cast %swap3A_122 : vector<16xf32> to vector<16xf32>
    %swap3A_124 = vector.shape_cast %broadcast_in_dim3A_120 : vector<16xf32> to vector<16xf32>
    tpu.vector_store %arg7[%swap3A_121], %swap3A_124 {strides = array<i32>} : memref<512xf32, #tpu.memory_space<vmem>>, vector<16xf32>,
    %broadcast_in_dim3A_125 = arith.constant 1.000000e+00 : f32
    %broadcast_in_dim3A_126 = vector.broadcast %broadcast_in_dim3A_125 : f32 to vector<16xf32>
    %swap3A_127 = arith.constant 336 : index
    %swap3A_128 = tpu.vector_load %arg7[%swap3A_127] {strides = array<i32>} : memref<512xf32, #tpu.memory_space<vmem>>, vector<16xf32>,
    %swap3A_129 = vector.shape_cast %swap3A_128 : vector<16xf32> to vector<16xf32>
    %swap3A_130 = vector.shape_cast %broadcast_in_dim3A_126 : vector<16xf32> to vector<16xf32>
    tpu.vector_store %arg7[%swap3A_127], %swap3A_130 {strides = array<i32>} : memref<512xf32, #tpu.memory_space<vmem>>, vector<16xf32>,
    %broadcast_in_dim3A_131 = arith.constant 1.000000e+00 : f32
    %broadcast_in_dim3A_132 = vector.broadcast %broadcast_in_dim3A_131 : f32 to vector<16xf32>
    %swap3A_133 = arith.constant 352 : index
    %swap3A_134 = tpu.vector_load %arg7[%swap3A_133] {strides = array<i32>} : memref<512xf32, #tpu.memory_space<vmem>>, vector<16xf32>,
    %swap3A_135 = vector.shape_cast %swap3A_134 : vector<16xf32> to vector<16xf32>
    %swap3A_136 = vector.shape_cast %broadcast_in_dim3A_132 : vector<16xf32> to vector<16xf32>
    tpu.vector_store %arg7[%swap3A_133], %swap3A_136 {strides = array<i32>} : memref<512xf32, #tpu.memory_space<vmem>>, vector<16xf32>,
    %broadcast_in_dim3A_137 = arith.constant 1.000000e+00 : f32
    %broadcast_in_dim3A_138 = vector.broadcast %broadcast_in_dim3A_137 : f32 to vector<16xf32>
    %swap3A_139 = arith.constant 368 : index
    %swap3A_140 = tpu.vector_load %arg7[%swap3A_139] {strides = array<i32>} : memref<512xf32, #tpu.memory_space<vmem>>, vector<16xf32>,
    %swap3A_141 = vector.shape_cast %swap3A_140 : vector<16xf32> to vector<16xf32>
    %swap3A_142 = vector.shape_cast %broadcast_in_dim3A_138 : vector<16xf32> to vector<16xf32>
    tpu.vector_store %arg7[%swap3A_139], %swap3A_142 {strides = array<i32>} : memref<512xf32, #tpu.memory_space<vmem>>, vector<16xf32>,
    %broadcast_in_dim3A_143 = arith.constant 1.000000e+00 : f32
    %broadcast_in_dim3A_144 = vector.broadcast %broadcast_in_dim3A_143 : f32 to vector<16xf32>
    %swap3A_145 = arith.constant 384 : index
    %swap3A_146 = tpu.vector_load %arg7[%swap3A_145] {strides = array<i32>} : memref<512xf32, #tpu.memory_space<vmem>>, vector<16xf32>,
    %swap3A_147 = vector.shape_cast %swap3A_146 : vector<16xf32> to vector<16xf32>
    %swap3A_148 = vector.shape_cast %broadcast_in_dim3A_144 : vector<16xf32> to vector<16xf32>
    tpu.vector_store %arg7[%swap3A_145], %swap3A_148 {strides = array<i32>} : memref<512xf32, #tpu.memory_space<vmem>>, vector<16xf32>,
    %broadcast_in_dim3A_149 = arith.constant 1.000000e+00 : f32
    %broadcast_in_dim3A_150 = vector.broadcast %broadcast_in_dim3A_149 : f32 to vector<16xf32>
    %swap3A_151 = arith.constant 400 : index
    %swap3A_152 = tpu.vector_load %arg7[%swap3A_151] {strides = array<i32>} : memref<512xf32, #tpu.memory_space<vmem>>, vector<16xf32>,
    %swap3A_153 = vector.shape_cast %swap3A_152 : vector<16xf32> to vector<16xf32>
    %swap3A_154 = vector.shape_cast %broadcast_in_dim3A_150 : vector<16xf32> to vector<16xf32>
    tpu.vector_store %arg7[%swap3A_151], %swap3A_154 {strides = array<i32>} : memref<512xf32, #tpu.memory_space<vmem>>, vector<16xf32>,
    %broadcast_in_dim3A_155 = arith.constant 1.000000e+00 : f32
    %broadcast_in_dim3A_156 = vector.broadcast %broadcast_in_dim3A_155 : f32 to vector<16xf32>
    %swap3A_157 = arith.constant 416 : index
    %swap3A_158 = tpu.vector_load %arg7[%swap3A_157] {strides = array<i32>} : memref<512xf32, #tpu.memory_space<vmem>>, vector<16xf32>,
    %swap3A_159 = vector.shape_cast %swap3A_158 : vector<16xf32> to vector<16xf32>
    %swap3A_160 = vector.shape_cast %broadcast_in_dim3A_156 : vector<16xf32> to vector<16xf32>
    tpu.vector_store %arg7[%swap3A_157], %swap3A_160 {strides = array<i32>} : memref<512xf32, #tpu.memory_space<vmem>>, vector<16xf32>,
    %broadcast_in_dim3A_161 = arith.constant 1.000000e+00 : f32
    %broadcast_in_dim3A_162 = vector.broadcast %broadcast_in_dim3A_161 : f32 to vector<16xf32>
    %swap3A_163 = arith.constant 432 : index
    %swap3A_164 = tpu.vector_load %arg7[%swap3A_163] {strides = array<i32>} : memref<512xf32, #tpu.memory_space<vmem>>, vector<16xf32>,
    %swap3A_165 = vector.shape_cast %swap3A_164 : vector<16xf32> to vector<16xf32>
    %swap3A_166 = vector.shape_cast %broadcast_in_dim3A_162 : vector<16xf32> to vector<16xf32>
    tpu.vector_store %arg7[%swap3A_163], %swap3A_166 {strides = array<i32>} : memref<512xf32, #tpu.memory_space<vmem>>, vector<16xf32>,
    %broadcast_in_dim3A_167 = arith.constant 1.000000e+00 : f32
    %broadcast_in_dim3A_168 = vector.broadcast %broadcast_in_dim3A_167 : f32 to vector<16xf32>
    %swap3A_169 = arith.constant 448 : index
    %swap3A_170 = tpu.vector_load %arg7[%swap3A_169] {strides = array<i32>} : memref<512xf32, #tpu.memory_space<vmem>>, vector<16xf32>,
    %swap3A_171 = vector.shape_cast %swap3A_170 : vector<16xf32> to vector<16xf32>
    %swap3A_172 = vector.shape_cast %broadcast_in_dim3A_168 : vector<16xf32> to vector<16xf32>
    tpu.vector_store %arg7[%swap3A_169], %swap3A_172 {strides = array<i32>} : memref<512xf32, #tpu.memory_space<vmem>>, vector<16xf32>,
    %broadcast_in_dim3A_173 = arith.constant 1.000000e+00 : f32
    %broadcast_in_dim3A_174 = vector.broadcast %broadcast_in_dim3A_173 : f32 to vector<16xf32>
    %swap3A_175 = arith.constant 464 : index
    %swap3A_176 = tpu.vector_load %arg7[%swap3A_175] {strides = array<i32>} : memref<512xf32, #tpu.memory_space<vmem>>, vector<16xf32>,
    %swap3A_177 = vector.shape_cast %swap3A_176 : vector<16xf32> to vector<16xf32>
    %swap3A_178 = vector.shape_cast %broadcast_in_dim3A_174 : vector<16xf32> to vector<16xf32>
    tpu.vector_store %arg7[%swap3A_175], %swap3A_178 {strides = array<i32>} : memref<512xf32, #tpu.memory_space<vmem>>, vector<16xf32>,
    %broadcast_in_dim3A_179 = arith.constant 1.000000e+00 : f32
    %broadcast_in_dim3A_180 = vector.broadcast %broadcast_in_dim3A_179 : f32 to vector<16xf32>
    %swap3A_181 = arith.constant 480 : index
    %swap3A_182 = tpu.vector_load %arg7[%swap3A_181] {strides = array<i32>} : memref<512xf32, #tpu.memory_space<vmem>>, vector<16xf32>,
    %swap3A_183 = vector.shape_cast %swap3A_182 : vector<16xf32> to vector<16xf32>
    %swap3A_184 = vector.shape_cast %broadcast_in_dim3A_180 : vector<16xf32> to vector<16xf32>
    tpu.vector_store %arg7[%swap3A_181], %swap3A_184 {strides = array<i32>} : memref<512xf32, #tpu.memory_space<vmem>>, vector<16xf32>,
    %broadcast_in_dim3A_185 = arith.constant 1.000000e+00 : f32
    %broadcast_in_dim3A_186 = vector.broadcast %broadcast_in_dim3A_185 : f32 to vector<16xf32>
    %swap3A_187 = arith.constant 496 : index
    %swap3A_188 = tpu.vector_load %arg7[%swap3A_187] {strides = array<i32>} : memref<512xf32, #tpu.memory_space<vmem>>, vector<16xf32>,
    %swap3A_189 = vector.shape_cast %swap3A_188 : vector<16xf32> to vector<16xf32>
    %swap3A_190 = vector.shape_cast %broadcast_in_dim3A_186 : vector<16xf32> to vector<16xf32>
    tpu.vector_store %arg7[%swap3A_187], %swap3A_190 {strides = array<i32>} : memref<512xf32, #tpu.memory_space<vmem>>, vector<16xf32>,
    %mul3A_191 = arith.constant 6256 : i32
    %mul3A_192 = arith.muli %arg1, %mul3A_191 : i32
    "tpu.region"() ({
      %run_scoped3A = tpu.sem_alloc : memref<!tpu.dma_semaphore, #tpu.memory_space<semaphore_mem>>
      %dma_start3A = tpu.memref_slice %arg3[%mul3A_192] : memref<100096xf32, #tpu.memory_space<hbm>> -> memref<6256xf32, #tpu.memory_space<hbm>>
      %dma_start3A_202 = tpu.memref_slice %arg3[%mul3A_192] : memref<100096xf32, #tpu.memory_space<hbm>> -> memref<6256xf32, #tpu.memory_space<hbm>>
      tpu.enqueue_dma source(%dma_start3A_202 : memref<6256xf32, #tpu.memory_space<hbm>>) target(%arg8 : memref<6256xf32, #tpu.memory_space<vmem>>) target_semaphore(%run_scoped3A : memref<!tpu.dma_semaphore, #tpu.memory_space<semaphore_mem>>)
      %dma_wait3A = tpu.memref_slice %arg3[%mul3A_192] : memref<100096xf32, #tpu.memory_space<hbm>> -> memref<6256xf32, #tpu.memory_space<hbm>>
      %dma_wait3A_203 = tpu.memref_slice %arg3[%mul3A_192] : memref<100096xf32, #tpu.memory_space<hbm>> -> memref<6256xf32, #tpu.memory_space<hbm>>
      tpu.wait_dma2 semaphore(%run_scoped3A : memref<!tpu.dma_semaphore, #tpu.memory_space<semaphore_mem>>) src(%dma_wait3A_203 : memref<6256xf32, #tpu.memory_space<hbm>>) dst(%arg8 : memref<6256xf32, #tpu.memory_space<vmem>>)
      tpu.yield
    }) : () -> ()
    "tpu.region"() ({
      %run_scoped3A = tpu.sem_alloc : memref<!tpu.dma_semaphore, #tpu.memory_space<semaphore_mem>>
      %dma_start3A = tpu.memref_slice %arg5[%mul3A_192] : memref<100096xf32, #tpu.memory_space<vmem_shared>> -> memref<6256xf32, #tpu.memory_space<vmem_shared>>
      %dma_start3A_202 = tpu.memref_slice %arg5[%mul3A_192] : memref<100096xf32, #tpu.memory_space<vmem_shared>> -> memref<6256xf32, #tpu.memory_space<vmem_shared>>
      tpu.enqueue_dma source(%arg8 : memref<6256xf32, #tpu.memory_space<vmem>>) target(%dma_start3A_202 : memref<6256xf32, #tpu.memory_space<vmem_shared>>) target_semaphore(%run_scoped3A : memref<!tpu.dma_semaphore, #tpu.memory_space<semaphore_mem>>)
      %dma_wait3A = tpu.memref_slice %arg5[%mul3A_192] : memref<100096xf32, #tpu.memory_space<vmem_shared>> -> memref<6256xf32, #tpu.memory_space<vmem_shared>>
      %dma_wait3A_203 = tpu.memref_slice %arg5[%mul3A_192] : memref<100096xf32, #tpu.memory_space<vmem_shared>> -> memref<6256xf32, #tpu.memory_space<vmem_shared>>
      tpu.wait_dma2 semaphore(%run_scoped3A : memref<!tpu.dma_semaphore, #tpu.memory_space<semaphore_mem>>) src(%arg8 : memref<6256xf32, #tpu.memory_space<vmem>>) dst(%dma_wait3A_203 : memref<6256xf32, #tpu.memory_space<vmem_shared>>)
      tpu.yield
    }) : () -> ()
    %barrier3A = arith.constant 0 : index
    tpu.barrier barrier_id(%barrier3A)
    %scan3A = arith.constant 0 : i32
    %scan3A_193 = arith.constant 0 : i32
    %scan3A_194 = arith.constant 98 : i32
    %scan3A_195 = arith.addi %scan3A_193, %scan3A_194 : i32
    %scan3A_196 = arith.constant 1 : i32
    scf.for %scan3A_202 = %scan3A_193 to %scan3A_195 step %scan3A_196  : i32 {
      %mul3A_203 = arith.constant 50176 : i32
      %mul3A_204 = arith.muli %add3A, %mul3A_203 : i32
      %mul3A_205 = arith.constant 512 : i32
      %mul3A_206 = arith.muli %scan3A_202, %mul3A_205 : i32
      %add3A_207 = arith.addi %mul3A_204, %mul3A_206 : i32
      "tpu.region"() ({
        %run_scoped3A = tpu.sem_alloc : memref<!tpu.dma_semaphore, #tpu.memory_space<semaphore_mem>>
        %dma_start3A = tpu.memref_slice %arg2[%add3A_207] : memref<1605632xi32, #tpu.memory_space<hbm>> -> memref<512xi32, #tpu.memory_space<hbm>>
        %dma_start3A_208 = tpu.memref_slice %arg2[%add3A_207] : memref<1605632xi32, #tpu.memory_space<hbm>> -> memref<512xi32, #tpu.memory_space<hbm>>
        tpu.enqueue_dma source(%dma_start3A_208 : memref<512xi32, #tpu.memory_space<hbm>>) target(%arg6 : memref<512xi32, #tpu.memory_space<vmem>>) target_semaphore(%run_scoped3A : memref<!tpu.dma_semaphore, #tpu.memory_space<semaphore_mem>>)
        %dma_wait3A = tpu.memref_slice %arg2[%add3A_207] : memref<1605632xi32, #tpu.memory_space<hbm>> -> memref<512xi32, #tpu.memory_space<hbm>>
        %dma_wait3A_209 = tpu.memref_slice %arg2[%add3A_207] : memref<1605632xi32, #tpu.memory_space<hbm>> -> memref<512xi32, #tpu.memory_space<hbm>>
        tpu.wait_dma2 semaphore(%run_scoped3A : memref<!tpu.dma_semaphore, #tpu.memory_space<semaphore_mem>>) src(%dma_wait3A_209 : memref<512xi32, #tpu.memory_space<hbm>>) dst(%arg6 : memref<512xi32, #tpu.memory_space<vmem>>)
        tpu.yield
      }) : () -> ()
      "tpu.region"() ({
        %run_scoped3A = tpu.sem_alloc : memref<!tpu.dma_semaphore, #tpu.memory_space<semaphore_mem>>
        %dma_start3A = arith.constant 0 : i32
        %dma_start3A_208 = tpu.memref_slice %arg5[%dma_start3A] : memref<100096xf32, #tpu.memory_space<vmem_shared>> -> memref<100096xf32, #tpu.memory_space<vmem_shared>>
        tpu.enqueue_indirect_dma source(%arg7 : memref<512xf32, #tpu.memory_space<vmem>>) target(%dma_start3A_208 : memref<100096xf32, #tpu.memory_space<vmem_shared>>) offsets(%arg6 : memref<512xi32, #tpu.memory_space<vmem>>) semaphore(%run_scoped3A : memref<!tpu.dma_semaphore, #tpu.memory_space<semaphore_mem>>) {add = true}
        %dma_wait3A = arith.constant 0 : i32
        %dma_wait3A_209 = tpu.memref_slice %arg5[%dma_wait3A] : memref<100096xf32, #tpu.memory_space<vmem_shared>> -> memref<100096xf32, #tpu.memory_space<vmem_shared>>
        tpu.wait_indirect_dma semaphore(%run_scoped3A : memref<!tpu.dma_semaphore, #tpu.memory_space<semaphore_mem>>) src(%arg7 : memref<512xf32, #tpu.memory_space<vmem>>) dst(%dma_wait3A_209 : memref<100096xf32, #tpu.memory_space<vmem_shared>>)
        tpu.yield
      }) : () -> ()
    }
    %scan3A_197 = arith.constant 98 : i32
    %barrier3A_198 = arith.constant 0 : index
    tpu.barrier barrier_id(%barrier3A_198)
    "tpu.region"() ({
      %run_scoped3A = tpu.sem_alloc : memref<!tpu.dma_semaphore, #tpu.memory_space<semaphore_mem>>
      %dma_start3A = tpu.memref_slice %arg5[%mul3A_192] : memref<100096xf32, #tpu.memory_space<vmem_shared>> -> memref<6256xf32, #tpu.memory_space<vmem_shared>>
      %dma_start3A_202 = tpu.memref_slice %arg5[%mul3A_192] : memref<100096xf32, #tpu.memory_space<vmem_shared>> -> memref<6256xf32, #tpu.memory_space<vmem_shared>>
      tpu.enqueue_dma source(%dma_start3A_202 : memref<6256xf32, #tpu.memory_space<vmem_shared>>) target(%arg8 : memref<6256xf32, #tpu.memory_space<vmem>>) target_semaphore(%run_scoped3A : memref<!tpu.dma_semaphore, #tpu.memory_space<semaphore_mem>>)
      %dma_wait3A = tpu.memref_slice %arg5[%mul3A_192] : memref<100096xf32, #tpu.memory_space<vmem_shared>> -> memref<6256xf32, #tpu.memory_space<vmem_shared>>
      %dma_wait3A_203 = tpu.memref_slice %arg5[%mul3A_192] : memref<100096xf32, #tpu.memory_space<vmem_shared>> -> memref<6256xf32, #tpu.memory_space<vmem_shared>>
      tpu.wait_dma2 semaphore(%run_scoped3A : memref<!tpu.dma_semaphore, #tpu.memory_space<semaphore_mem>>) src(%dma_wait3A_203 : memref<6256xf32, #tpu.memory_space<vmem_shared>>) dst(%arg8 : memref<6256xf32, #tpu.memory_space<vmem>>)
      tpu.yield
    }) : () -> ()
    %mul3A_199 = arith.constant 100096 : i32
    %mul3A_200 = arith.muli %arg0, %mul3A_199 : i32
    %add3A_201 = arith.addi %mul3A_200, %mul3A_192 : i32
    "tpu.region"() ({
      %run_scoped3A = tpu.sem_alloc : memref<!tpu.dma_semaphore, #tpu.memory_space<semaphore_mem>>
      %dma_start3A = tpu.memref_slice %arg4[%add3A_201] : memref<200192xf32, #tpu.memory_space<hbm>> -> memref<6256xf32, #tpu.memory_space<hbm>>
      %dma_start3A_202 = tpu.memref_slice %arg4[%add3A_201] : memref<200192xf32, #tpu.memory_space<hbm>> -> memref<6256xf32, #tpu.memory_space<hbm>>
      tpu.enqueue_dma source(%arg8 : memref<6256xf32, #tpu.memory_space<vmem>>) target(%dma_start3A_202 : memref<6256xf32, #tpu.memory_space<hbm>>) target_semaphore(%run_scoped3A : memref<!tpu.dma_semaphore, #tpu.memory_space<semaphore_mem>>)
      %dma_wait3A = tpu.memref_slice %arg4[%add3A_201] : memref<200192xf32, #tpu.memory_space<hbm>> -> memref<6256xf32, #tpu.memory_space<hbm>>
      %dma_wait3A_203 = tpu.memref_slice %arg4[%add3A_201] : memref<200192xf32, #tpu.memory_space<hbm>> -> memref<6256xf32, #tpu.memory_space<hbm>>
      tpu.wait_dma2 semaphore(%run_scoped3A : memref<!tpu.dma_semaphore, #tpu.memory_space<semaphore_mem>>) src(%arg8 : memref<6256xf32, #tpu.memory_space<vmem>>) dst(%dma_wait3A_203 : memref<6256xf32, #tpu.memory_space<hbm>>)
      tpu.yield
    }) : () -> ()
    return
  }
}

#map = affine_map<(d0, d1) -> (0)>
#map1 = affine_map<(d0, d1) -> (0, 0)>
module attributes {stable_mosaic.version = 14 : i64} {
  func.func @_sc_adj_body(%arg0: i32, %arg1: i32, %arg2: memref<1605632xi32, #tpu.memory_space<hbm>>, %arg3: memref<1605632xi32, #tpu.memory_space<hbm>>, %arg4: memref<100096x8xf32, #tpu.memory_space<hbm>>, %arg5: memref<100096x8xf32, #tpu.memory_space<hbm>>, %arg6: memref<200192x8xf32, #tpu.memory_space<hbm>>, %arg7: memref<100096x8xf32, #tpu.memory_space<vmem_shared>>, %arg8: memref<512xi32, #tpu.memory_space<vmem>>, %arg9: memref<512xi32, #tpu.memory_space<vmem>>, %arg10: memref<512x8xf32, #tpu.memory_space<vmem>>, %arg11: memref<6256x8xf32, #tpu.memory_space<vmem>>) attributes {dimension_semantics = [#tpu.dimension_semantics<core_parallel>, #tpu.dimension_semantics<subcore_parallel>], iteration_bounds = array<i64: 2, 16>, scalar_prefetch = 0 : i64, scratch_operands = 5 : i64, tpu.core_type = #tpu.core_type<sc_vector_subcore>, window_params = [{transform_indices = #map}, {transform_indices = #map}, {transform_indices = #map1}, {transform_indices = #map1}, {transform_indices = #map1}]} {
    %mul3A = arith.constant 16 : i32
    %mul3A_0 = arith.muli %arg0, %mul3A : i32
    %add3A = arith.addi %mul3A_0, %arg1 : i32
    %mul3A_1 = arith.constant 6256 : i32
    %mul3A_2 = arith.muli %arg1, %mul3A_1 : i32
    "tpu.region"() ({
      %run_scoped3A = tpu.sem_alloc : memref<!tpu.dma_semaphore, #tpu.memory_space<semaphore_mem>>
      %dma_start3A = arith.constant 0 : i32
      %dma_start3A_12 = tpu.memref_slice %arg5[%mul3A_2, %dma_start3A] : memref<100096x8xf32, #tpu.memory_space<hbm>> -> memref<6256x8xf32, #tpu.memory_space<hbm>>
      %dma_start3A_13 = arith.constant 0 : i32
      %dma_start3A_14 = tpu.memref_slice %arg5[%mul3A_2, %dma_start3A_13] : memref<100096x8xf32, #tpu.memory_space<hbm>> -> memref<6256x8xf32, #tpu.memory_space<hbm>>
      tpu.enqueue_dma source(%dma_start3A_14 : memref<6256x8xf32, #tpu.memory_space<hbm>>) target(%arg11 : memref<6256x8xf32, #tpu.memory_space<vmem>>) target_semaphore(%run_scoped3A : memref<!tpu.dma_semaphore, #tpu.memory_space<semaphore_mem>>)
      %dma_wait3A = arith.constant 0 : i32
      %dma_wait3A_15 = tpu.memref_slice %arg5[%mul3A_2, %dma_wait3A] : memref<100096x8xf32, #tpu.memory_space<hbm>> -> memref<6256x8xf32, #tpu.memory_space<hbm>>
      %dma_wait3A_16 = arith.constant 0 : i32
      %dma_wait3A_17 = tpu.memref_slice %arg5[%mul3A_2, %dma_wait3A_16] : memref<100096x8xf32, #tpu.memory_space<hbm>> -> memref<6256x8xf32, #tpu.memory_space<hbm>>
      tpu.wait_dma2 semaphore(%run_scoped3A : memref<!tpu.dma_semaphore, #tpu.memory_space<semaphore_mem>>) src(%dma_wait3A_17 : memref<6256x8xf32, #tpu.memory_space<hbm>>) dst(%arg11 : memref<6256x8xf32, #tpu.memory_space<vmem>>)
      tpu.yield
    }) : () -> ()
    "tpu.region"() ({
      %run_scoped3A = tpu.sem_alloc : memref<!tpu.dma_semaphore, #tpu.memory_space<semaphore_mem>>
      %dma_start3A = arith.constant 0 : i32
      %dma_start3A_12 = tpu.memref_slice %arg7[%mul3A_2, %dma_start3A] : memref<100096x8xf32, #tpu.memory_space<vmem_shared>> -> memref<6256x8xf32, #tpu.memory_space<vmem_shared>>
      %dma_start3A_13 = arith.constant 0 : i32
      %dma_start3A_14 = tpu.memref_slice %arg7[%mul3A_2, %dma_start3A_13] : memref<100096x8xf32, #tpu.memory_space<vmem_shared>> -> memref<6256x8xf32, #tpu.memory_space<vmem_shared>>
      tpu.enqueue_dma source(%arg11 : memref<6256x8xf32, #tpu.memory_space<vmem>>) target(%dma_start3A_14 : memref<6256x8xf32, #tpu.memory_space<vmem_shared>>) target_semaphore(%run_scoped3A : memref<!tpu.dma_semaphore, #tpu.memory_space<semaphore_mem>>)
      %dma_wait3A = arith.constant 0 : i32
      %dma_wait3A_15 = tpu.memref_slice %arg7[%mul3A_2, %dma_wait3A] : memref<100096x8xf32, #tpu.memory_space<vmem_shared>> -> memref<6256x8xf32, #tpu.memory_space<vmem_shared>>
      %dma_wait3A_16 = arith.constant 0 : i32
      %dma_wait3A_17 = tpu.memref_slice %arg7[%mul3A_2, %dma_wait3A_16] : memref<100096x8xf32, #tpu.memory_space<vmem_shared>> -> memref<6256x8xf32, #tpu.memory_space<vmem_shared>>
      tpu.wait_dma2 semaphore(%run_scoped3A : memref<!tpu.dma_semaphore, #tpu.memory_space<semaphore_mem>>) src(%arg11 : memref<6256x8xf32, #tpu.memory_space<vmem>>) dst(%dma_wait3A_17 : memref<6256x8xf32, #tpu.memory_space<vmem_shared>>)
      tpu.yield
    }) : () -> ()
    %barrier3A = arith.constant 0 : index
    tpu.barrier barrier_id(%barrier3A)
    %scan3A = arith.constant 0 : i32
    %scan3A_3 = arith.constant 0 : i32
    %scan3A_4 = arith.constant 98 : i32
    %scan3A_5 = arith.addi %scan3A_3, %scan3A_4 : i32
    %scan3A_6 = arith.constant 1 : i32
    scf.for %scan3A_12 = %scan3A_3 to %scan3A_5 step %scan3A_6  : i32 {
      %mul3A_13 = arith.constant 50176 : i32
      %mul3A_14 = arith.muli %add3A, %mul3A_13 : i32
      %mul3A_15 = arith.constant 512 : i32
      %mul3A_16 = arith.muli %scan3A_12, %mul3A_15 : i32
      %add3A_17 = arith.addi %mul3A_14, %mul3A_16 : i32
      "tpu.region"() ({
        %run_scoped3A = tpu.sem_alloc : memref<!tpu.dma_semaphore, #tpu.memory_space<semaphore_mem>>
        %dma_start3A = tpu.memref_slice %arg2[%add3A_17] : memref<1605632xi32, #tpu.memory_space<hbm>> -> memref<512xi32, #tpu.memory_space<hbm>>
        %dma_start3A_18 = tpu.memref_slice %arg2[%add3A_17] : memref<1605632xi32, #tpu.memory_space<hbm>> -> memref<512xi32, #tpu.memory_space<hbm>>
        tpu.enqueue_dma source(%dma_start3A_18 : memref<512xi32, #tpu.memory_space<hbm>>) target(%arg8 : memref<512xi32, #tpu.memory_space<vmem>>) target_semaphore(%run_scoped3A : memref<!tpu.dma_semaphore, #tpu.memory_space<semaphore_mem>>)
        %dma_wait3A = tpu.memref_slice %arg2[%add3A_17] : memref<1605632xi32, #tpu.memory_space<hbm>> -> memref<512xi32, #tpu.memory_space<hbm>>
        %dma_wait3A_19 = tpu.memref_slice %arg2[%add3A_17] : memref<1605632xi32, #tpu.memory_space<hbm>> -> memref<512xi32, #tpu.memory_space<hbm>>
        tpu.wait_dma2 semaphore(%run_scoped3A : memref<!tpu.dma_semaphore, #tpu.memory_space<semaphore_mem>>) src(%dma_wait3A_19 : memref<512xi32, #tpu.memory_space<hbm>>) dst(%arg8 : memref<512xi32, #tpu.memory_space<vmem>>)
        tpu.yield
      }) : () -> ()
      "tpu.region"() ({
        %run_scoped3A = tpu.sem_alloc : memref<!tpu.dma_semaphore, #tpu.memory_space<semaphore_mem>>
        %dma_start3A = tpu.memref_slice %arg3[%add3A_17] : memref<1605632xi32, #tpu.memory_space<hbm>> -> memref<512xi32, #tpu.memory_space<hbm>>
        %dma_start3A_18 = tpu.memref_slice %arg3[%add3A_17] : memref<1605632xi32, #tpu.memory_space<hbm>> -> memref<512xi32, #tpu.memory_space<hbm>>
        tpu.enqueue_dma source(%dma_start3A_18 : memref<512xi32, #tpu.memory_space<hbm>>) target(%arg9 : memref<512xi32, #tpu.memory_space<vmem>>) target_semaphore(%run_scoped3A : memref<!tpu.dma_semaphore, #tpu.memory_space<semaphore_mem>>)
        %dma_wait3A = tpu.memref_slice %arg3[%add3A_17] : memref<1605632xi32, #tpu.memory_space<hbm>> -> memref<512xi32, #tpu.memory_space<hbm>>
        %dma_wait3A_19 = tpu.memref_slice %arg3[%add3A_17] : memref<1605632xi32, #tpu.memory_space<hbm>> -> memref<512xi32, #tpu.memory_space<hbm>>
        tpu.wait_dma2 semaphore(%run_scoped3A : memref<!tpu.dma_semaphore, #tpu.memory_space<semaphore_mem>>) src(%dma_wait3A_19 : memref<512xi32, #tpu.memory_space<hbm>>) dst(%arg9 : memref<512xi32, #tpu.memory_space<vmem>>)
        tpu.yield
      }) : () -> ()
      "tpu.region"() ({
        %run_scoped3A = tpu.sem_alloc : memref<!tpu.dma_semaphore, #tpu.memory_space<semaphore_mem>>
        %dma_start3A = arith.constant 0 : i32
        %dma_start3A_18 = arith.constant 0 : i32
        %dma_start3A_19 = tpu.memref_slice %arg4[%dma_start3A, %dma_start3A_18] : memref<100096x8xf32, #tpu.memory_space<hbm>> -> memref<100096x8xf32, #tpu.memory_space<hbm>>
        tpu.enqueue_indirect_dma source(%dma_start3A_19 : memref<100096x8xf32, #tpu.memory_space<hbm>>) target(%arg10 : memref<512x8xf32, #tpu.memory_space<vmem>>) offsets(%arg8 : memref<512xi32, #tpu.memory_space<vmem>>) semaphore(%run_scoped3A : memref<!tpu.dma_semaphore, #tpu.memory_space<semaphore_mem>>)
        %dma_wait3A = arith.constant 0 : i32
        %dma_wait3A_20 = arith.constant 0 : i32
        %dma_wait3A_21 = tpu.memref_slice %arg4[%dma_wait3A, %dma_wait3A_20] : memref<100096x8xf32, #tpu.memory_space<hbm>> -> memref<100096x8xf32, #tpu.memory_space<hbm>>
        tpu.wait_indirect_dma semaphore(%run_scoped3A : memref<!tpu.dma_semaphore, #tpu.memory_space<semaphore_mem>>) src(%dma_wait3A_21 : memref<100096x8xf32, #tpu.memory_space<hbm>>) dst(%arg10 : memref<512x8xf32, #tpu.memory_space<vmem>>)
        tpu.yield
      }) : () -> ()
      "tpu.region"() ({
        %run_scoped3A = tpu.sem_alloc : memref<!tpu.dma_semaphore, #tpu.memory_space<semaphore_mem>>
        %dma_start3A = arith.constant 0 : i32
        %dma_start3A_18 = arith.constant 0 : i32
        %dma_start3A_19 = tpu.memref_slice %arg7[%dma_start3A, %dma_start3A_18] : memref<100096x8xf32, #tpu.memory_space<vmem_shared>> -> memref<100096x8xf32, #tpu.memory_space<vmem_shared>>
        tpu.enqueue_indirect_dma source(%arg10 : memref<512x8xf32, #tpu.memory_space<vmem>>) target(%dma_start3A_19 : memref<100096x8xf32, #tpu.memory_space<vmem_shared>>) offsets(%arg9 : memref<512xi32, #tpu.memory_space<vmem>>) semaphore(%run_scoped3A : memref<!tpu.dma_semaphore, #tpu.memory_space<semaphore_mem>>) {add = true}
        %dma_wait3A = arith.constant 0 : i32
        %dma_wait3A_20 = arith.constant 0 : i32
        %dma_wait3A_21 = tpu.memref_slice %arg7[%dma_wait3A, %dma_wait3A_20] : memref<100096x8xf32, #tpu.memory_space<vmem_shared>> -> memref<100096x8xf32, #tpu.memory_space<vmem_shared>>
        tpu.wait_indirect_dma semaphore(%run_scoped3A : memref<!tpu.dma_semaphore, #tpu.memory_space<semaphore_mem>>) src(%arg10 : memref<512x8xf32, #tpu.memory_space<vmem>>) dst(%dma_wait3A_21 : memref<100096x8xf32, #tpu.memory_space<vmem_shared>>)
        tpu.yield
      }) : () -> ()
    }
    %scan3A_7 = arith.constant 98 : i32
    %barrier3A_8 = arith.constant 0 : index
    tpu.barrier barrier_id(%barrier3A_8)
    "tpu.region"() ({
      %run_scoped3A = tpu.sem_alloc : memref<!tpu.dma_semaphore, #tpu.memory_space<semaphore_mem>>
      %dma_start3A = arith.constant 0 : i32
      %dma_start3A_12 = tpu.memref_slice %arg7[%mul3A_2, %dma_start3A] : memref<100096x8xf32, #tpu.memory_space<vmem_shared>> -> memref<6256x8xf32, #tpu.memory_space<vmem_shared>>
      %dma_start3A_13 = arith.constant 0 : i32
      %dma_start3A_14 = tpu.memref_slice %arg7[%mul3A_2, %dma_start3A_13] : memref<100096x8xf32, #tpu.memory_space<vmem_shared>> -> memref<6256x8xf32, #tpu.memory_space<vmem_shared>>
      tpu.enqueue_dma source(%dma_start3A_14 : memref<6256x8xf32, #tpu.memory_space<vmem_shared>>) target(%arg11 : memref<6256x8xf32, #tpu.memory_space<vmem>>) target_semaphore(%run_scoped3A : memref<!tpu.dma_semaphore, #tpu.memory_space<semaphore_mem>>)
      %dma_wait3A = arith.constant 0 : i32
      %dma_wait3A_15 = tpu.memref_slice %arg7[%mul3A_2, %dma_wait3A] : memref<100096x8xf32, #tpu.memory_space<vmem_shared>> -> memref<6256x8xf32, #tpu.memory_space<vmem_shared>>
      %dma_wait3A_16 = arith.constant 0 : i32
      %dma_wait3A_17 = tpu.memref_slice %arg7[%mul3A_2, %dma_wait3A_16] : memref<100096x8xf32, #tpu.memory_space<vmem_shared>> -> memref<6256x8xf32, #tpu.memory_space<vmem_shared>>
      tpu.wait_dma2 semaphore(%run_scoped3A : memref<!tpu.dma_semaphore, #tpu.memory_space<semaphore_mem>>) src(%dma_wait3A_17 : memref<6256x8xf32, #tpu.memory_space<vmem_shared>>) dst(%arg11 : memref<6256x8xf32, #tpu.memory_space<vmem>>)
      tpu.yield
    }) : () -> ()
    %mul3A_9 = arith.constant 100096 : i32
    %mul3A_10 = arith.muli %arg0, %mul3A_9 : i32
    %add3A_11 = arith.addi %mul3A_10, %mul3A_2 : i32
    "tpu.region"() ({
      %run_scoped3A = tpu.sem_alloc : memref<!tpu.dma_semaphore, #tpu.memory_space<semaphore_mem>>
      %dma_start3A = arith.constant 0 : i32
      %dma_start3A_12 = tpu.memref_slice %arg6[%add3A_11, %dma_start3A] : memref<200192x8xf32, #tpu.memory_space<hbm>> -> memref<6256x8xf32, #tpu.memory_space<hbm>>
      %dma_start3A_13 = arith.constant 0 : i32
      %dma_start3A_14 = tpu.memref_slice %arg6[%add3A_11, %dma_start3A_13] : memref<200192x8xf32, #tpu.memory_space<hbm>> -> memref<6256x8xf32, #tpu.memory_space<hbm>>
      tpu.enqueue_dma source(%arg11 : memref<6256x8xf32, #tpu.memory_space<vmem>>) target(%dma_start3A_14 : memref<6256x8xf32, #tpu.memory_space<hbm>>) target_semaphore(%run_scoped3A : memref<!tpu.dma_semaphore, #tpu.memory_space<semaphore_mem>>)
      %dma_wait3A = arith.constant 0 : i32
      %dma_wait3A_15 = tpu.memref_slice %arg6[%add3A_11, %dma_wait3A] : memref<200192x8xf32, #tpu.memory_space<hbm>> -> memref<6256x8xf32, #tpu.memory_space<hbm>>
      %dma_wait3A_16 = arith.constant 0 : i32
      %dma_wait3A_17 = tpu.memref_slice %arg6[%add3A_11, %dma_wait3A_16] : memref<200192x8xf32, #tpu.memory_space<hbm>> -> memref<6256x8xf32, #tpu.memory_space<hbm>>
      tpu.wait_dma2 semaphore(%run_scoped3A : memref<!tpu.dma_semaphore, #tpu.memory_space<semaphore_mem>>) src(%arg11 : memref<6256x8xf32, #tpu.memory_space<vmem>>) dst(%dma_wait3A_17 : memref<6256x8xf32, #tpu.memory_space<hbm>>)
      tpu.yield
    }) : () -> ()
    return
  }
}

module attributes {stable_mosaic.version = 14 : i64} {
  func.func @_tc1_body(%arg0: memref<4x100000xf32, #tpu.memory_space<vmem>>, %arg1: memref<2x100096xf32, #tpu.memory_space<vmem>>, %arg2: memref<4x1xf32, #tpu.memory_space<vmem>>, %arg3: memref<4x1xf32, #tpu.memory_space<vmem>>, %arg4: memref<8x100096xf32, #tpu.memory_space<vmem>>, %arg5: memref<1x100096xf32, #tpu.memory_space<vmem>>) attributes {dimension_semantics = [], scalar_prefetch = 0 : i64, scratch_operands = 0 : i64, tpu.core_type = #tpu.core_type<tc>} {
    %get3A = arith.constant 0 : index
    %get3A_0 = arith.constant 0 : index
    %get3A_1 = vector.load %arg0[%get3A, %get3A_0] : memref<4x100000xf32, #tpu.memory_space<vmem>>, vector<4x100000xf32>
    %reduce_sum3A = arith.constant dense<0.000000e+00> : vector<4xf32>
    %reduce_sum3A_2 = vector.multi_reduction <add>, %get3A_1, %reduce_sum3A [1] : vector<4x100000xf32> to vector<4xf32>
    %div3A = arith.constant 1.000000e+05 : f32
    %div3A_3 = vector.broadcast %div3A : f32 to vector<4xf32>
    %div3A_4 = arith.divf %reduce_sum3A_2, %div3A_3 : vector<4xf32>
    %broadcast_in_dim3A = vector.shape_cast %div3A_4 : vector<4xf32> to vector<4x1xf32>
    %sub3A = vector.broadcast %broadcast_in_dim3A : vector<4x1xf32> to vector<4x100000xf32>
    %sub3A_5 = arith.subf %get3A_1, %sub3A : vector<4x100000xf32>
    %mul3A = arith.mulf %sub3A_5, %sub3A_5 : vector<4x100000xf32>
    %reduce_sum3A_6 = arith.constant dense<0.000000e+00> : vector<4xf32>
    %reduce_sum3A_7 = vector.multi_reduction <add>, %mul3A, %reduce_sum3A_6 [1] : vector<4x100000xf32> to vector<4xf32>
    %div3A_8 = arith.constant 1.000000e+05 : f32
    %div3A_9 = vector.broadcast %div3A_8 : f32 to vector<4xf32>
    %div3A_10 = arith.divf %reduce_sum3A_7, %div3A_9 : vector<4xf32>
    %get3A_11 = arith.constant 0 : index
    %get3A_12 = arith.constant 0 : index
    %get3A_13 = vector.load %arg2[%get3A_11, %get3A_12] : memref<4x1xf32, #tpu.memory_space<vmem>>, vector<4x1xf32>
    %get3A_14 = vector.shape_cast %get3A_13 : vector<4x1xf32> to vector<4xf32>
    %add3A = arith.constant 9.99999974E-6 : f32
    %add3A_15 = vector.broadcast %add3A : f32 to vector<4xf32>
    %add3A_16 = arith.addf %div3A_10, %add3A_15 : vector<4xf32>
    %rsqrt3A = math.rsqrt %add3A_16 : vector<4xf32>
    %mul3A_17 = arith.mulf %get3A_14, %rsqrt3A : vector<4xf32>
    %get3A_18 = arith.constant 0 : index
    %get3A_19 = arith.constant 0 : index
    %get3A_20 = vector.load %arg3[%get3A_18, %get3A_19] : memref<4x1xf32, #tpu.memory_space<vmem>>, vector<4x1xf32>
    %get3A_21 = vector.shape_cast %get3A_20 : vector<4x1xf32> to vector<4xf32>
    %mul3A_22 = arith.mulf %div3A_4, %mul3A_17 : vector<4xf32>
    %sub3A_23 = arith.subf %get3A_21, %mul3A_22 : vector<4xf32>
    %get3A_24 = arith.constant 0 : index
    %get3A_25 = arith.constant 0 : index
    %get3A_26 = vector.load %arg1[%get3A_24, %get3A_25] : memref<2x100096xf32, #tpu.memory_space<vmem>>, vector<1x100096xf32>
    %get3A_27 = arith.constant 1 : index
    %get3A_28 = arith.constant 0 : index
    %get3A_29 = vector.load %arg1[%get3A_27, %get3A_28] : memref<2x100096xf32, #tpu.memory_space<vmem>>, vector<1x100096xf32>
    %add3A_30 = arith.addf %get3A_26, %get3A_29 : vector<1x100096xf32>
    %add3A_31 = arith.constant 1.000000e+00 : f32
    %add3A_32 = vector.broadcast %add3A_31 : f32 to vector<1x100096xf32>
    %add3A_33 = arith.addf %add3A_30, %add3A_32 : vector<1x100096xf32>
    %iota3A = tpu.iota {dimensions = array<i32: 1>} : vector<1x100096xi32>
    %lt3A = arith.constant 100000 : i32
    %lt3A_34 = vector.broadcast %lt3A : i32 to vector<1x100096xi32>
    %lt3A_35 = arith.cmpi slt, %iota3A, %lt3A_34 : vector<1x100096xi32>
    %abs3A = math.absf %add3A_33 : vector<1x100096xf32>
    %add3A_36 = arith.constant 9.99999971E-10 : f32
    %add3A_37 = vector.broadcast %add3A_36 : f32 to vector<1x100096xf32>
    %add3A_38 = arith.addf %abs3A, %add3A_37 : vector<1x100096xf32>
    %rsqrt3A_39 = math.rsqrt %add3A_38 : vector<1x100096xf32>
    %jit3A = arith.constant 0.000000e+00 : f32
    %broadcast_in_dim3A_40 = vector.broadcast %jit3A : f32 to vector<1x100096xf32>
    %select_n3A = arith.select %lt3A_35, %rsqrt3A_39, %broadcast_in_dim3A_40 : vector<1x100096xi1>, vector<1x100096xf32>
    %jit3A_41 = arith.constant 0 : i32
    %convert_element_type3A = arith.sitofp %jit3A_41 : i32 to f32
    %pad3A = vector.broadcast %convert_element_type3A : f32 to vector<4x100000xf32>
    %pad3A_42 = tpu.concatenate %get3A_1, %pad3A in 0 : vector<4x100000xf32>, vector<4x100000xf32> -> vector<8x100000xf32>
    %pad3A_43 = vector.broadcast %convert_element_type3A : f32 to vector<8x96xf32>
    %pad3A_44 = tpu.concatenate %pad3A_42, %pad3A_43 in 1 : vector<8x100000xf32>, vector<8x96xf32> -> vector<8x100096xf32>
    %broadcast_in_dim3A_45 = arith.constant 0.000000e+00 : f32
    %broadcast_in_dim3A_46 = vector.broadcast %broadcast_in_dim3A_45 : f32 to vector<4xf32>
    %concatenate3A = tpu.concatenate %mul3A_17, %broadcast_in_dim3A_46 in 0 : vector<4xf32>, vector<4xf32> -> vector<8xf32>
    %broadcast_in_dim3A_47 = vector.shape_cast %concatenate3A : vector<8xf32> to vector<8x1xf32>
    %broadcast_in_dim3A_48 = arith.constant 1.000000e+00 : f32
    %broadcast_in_dim3A_49 = vector.broadcast %broadcast_in_dim3A_48 : f32 to vector<1xf32>
    %broadcast_in_dim3A_50 = arith.constant 0.000000e+00 : f32
    %broadcast_in_dim3A_51 = vector.broadcast %broadcast_in_dim3A_50 : f32 to vector<3xf32>
    %concatenate3A_52 = tpu.concatenate %sub3A_23, %broadcast_in_dim3A_49, %broadcast_in_dim3A_51 in 0 : vector<4xf32>, vector<1xf32>, vector<3xf32> -> vector<8xf32>
    %broadcast_in_dim3A_53 = vector.shape_cast %concatenate3A_52 : vector<8xf32> to vector<8x1xf32>
    %mul3A_54 = vector.broadcast %broadcast_in_dim3A_47 : vector<8x1xf32> to vector<8x100096xf32>
    %mul3A_55 = arith.mulf %pad3A_44, %mul3A_54 : vector<8x100096xf32>
    %add3A_56 = vector.broadcast %broadcast_in_dim3A_53 : vector<8x1xf32> to vector<8x100096xf32>
    %add3A_57 = arith.addf %mul3A_55, %add3A_56 : vector<8x100096xf32>
    %mul3A_58 = vector.broadcast %select_n3A : vector<1x100096xf32> to vector<8x100096xf32>
    %mul3A_59 = arith.mulf %add3A_57, %mul3A_58 : vector<8x100096xf32>
    %swap3A = arith.constant 0 : index
    %swap3A_60 = arith.constant 0 : index
    %swap3A_61 = vector.load %arg4[%swap3A, %swap3A_60] : memref<8x100096xf32, #tpu.memory_space<vmem>>, vector<8x100096xf32>
    tpu.vector_store %arg4[%swap3A, %swap3A_60], %mul3A_59 {strides = array<i32>} : memref<8x100096xf32, #tpu.memory_space<vmem>>, vector<8x100096xf32>,
    %swap3A_62 = arith.constant 0 : index
    %swap3A_63 = arith.constant 0 : index
    %swap3A_64 = vector.load %arg5[%swap3A_62, %swap3A_63] : memref<1x100096xf32, #tpu.memory_space<vmem>>, vector<1x100096xf32>
    tpu.vector_store %arg5[%swap3A_62, %swap3A_63], %select_n3A {strides = array<i32>} : memref<1x100096xf32, #tpu.memory_space<vmem>>, vector<1x100096xf32>,
    return
  }
}

module attributes {stable_mosaic.version = 14 : i64} {
  func.func @_tc2_body(%arg0: memref<8x200192xf32, #tpu.memory_space<vmem>>, %arg1: memref<8x100096xf32, #tpu.memory_space<vmem>>, %arg2: memref<1x100096xf32, #tpu.memory_space<vmem>>, %arg3: memref<8x100096xf32, #tpu.memory_space<vmem>>) attributes {dimension_semantics = [], scalar_prefetch = 0 : i64, scratch_operands = 0 : i64, tpu.core_type = #tpu.core_type<tc>} {
    %get3A = arith.constant 0 : index
    %get3A_0 = arith.constant 0 : index
    %get3A_1 = vector.load %arg0[%get3A, %get3A_0] : memref<8x200192xf32, #tpu.memory_space<vmem>>, vector<8x100096xf32>
    %get3A_2 = arith.constant 0 : index
    %get3A_3 = arith.constant 100096 : index
    %get3A_4 = vector.load %arg0[%get3A_2, %get3A_3] : memref<8x200192xf32, #tpu.memory_space<vmem>>, vector<8x100096xf32>
    %add3A = arith.addf %get3A_1, %get3A_4 : vector<8x100096xf32>
    %get3A_5 = arith.constant 0 : index
    %get3A_6 = arith.constant 0 : index
    %get3A_7 = vector.load %arg1[%get3A_5, %get3A_6] : memref<8x100096xf32, #tpu.memory_space<vmem>>, vector<8x100096xf32>
    %add3A_8 = arith.addf %add3A, %get3A_7 : vector<8x100096xf32>
    %get3A_9 = arith.constant 0 : index
    %get3A_10 = arith.constant 0 : index
    %get3A_11 = vector.load %arg2[%get3A_9, %get3A_10] : memref<1x100096xf32, #tpu.memory_space<vmem>>, vector<1x100096xf32>
    %mul3A = vector.broadcast %get3A_11 : vector<1x100096xf32> to vector<8x100096xf32>
    %mul3A_12 = arith.mulf %add3A_8, %mul3A : vector<8x100096xf32>
    %iota3A = tpu.iota {dimensions = array<i32: 0>} : vector<8x100096xi32>
    %eq3A = arith.constant 4 : i32
    %eq3A_13 = vector.broadcast %eq3A : i32 to vector<8x100096xi32>
    %eq3A_14 = arith.cmpi eq, %iota3A, %eq3A_13 : vector<8x100096xi32>
    %mul3A_15 = vector.broadcast %get3A_11 : vector<1x100096xf32> to vector<8x100096xf32>
    %mul3A_16 = arith.mulf %mul3A_12, %mul3A_15 : vector<8x100096xf32>
    %select_n3A = arith.select %eq3A_14, %mul3A_12, %mul3A_16 : vector<8x100096xi1>, vector<8x100096xf32>
    %swap3A = arith.constant 0 : index
    %swap3A_17 = arith.constant 0 : index
    %swap3A_18 = vector.load %arg3[%swap3A, %swap3A_17] : memref<8x100096xf32, #tpu.memory_space<vmem>>, vector<8x100096xf32>
    tpu.vector_store %arg3[%swap3A, %swap3A_17], %select_n3A {strides = array<i32>} : memref<8x100096xf32, #tpu.memory_space<vmem>>, vector<8x100096xf32>,
    return
  }
}

module attributes {stable_mosaic.version = 14 : i64} {
  func.func @_tc3_body(%arg0: memref<8x200192xf32, #tpu.memory_space<vmem>>, %arg1: memref<8x100096xf32, #tpu.memory_space<vmem>>, %arg2: memref<1x100096xf32, #tpu.memory_space<vmem>>, %arg3: memref<1x100096xi32, #tpu.memory_space<vmem>>, %arg4: memref<4x64xf32, #tpu.memory_space<vmem>>, %arg5: memref<1x64xf32, #tpu.memory_space<vmem>>, %arg6: memref<64x64xf32, #tpu.memory_space<vmem>>, %arg7: memref<1x64xf32, #tpu.memory_space<vmem>>, %arg8: memref<1x64xf32, #tpu.memory_space<vmem>>, %arg9: memref<1x64xf32, #tpu.memory_space<vmem>>, %arg10: memref<64x64xf32, #tpu.memory_space<vmem>>, %arg11: memref<1x64xf32, #tpu.memory_space<vmem>>, %arg12: memref<64x64xf32, #tpu.memory_space<vmem>>, %arg13: memref<1x64xf32, #tpu.memory_space<vmem>>, %arg14: memref<64x1xf32, #tpu.memory_space<vmem>>, %arg15: memref<1x1xf32, #tpu.memory_space<vmem>>, %arg16: memref<64x1xf32, #tpu.memory_space<vmem>>) attributes {dimension_semantics = [], scalar_prefetch = 0 : i64, scratch_operands = 0 : i64, tpu.core_type = #tpu.core_type<tc>} {
    %get3A = arith.constant 0 : index
    %get3A_0 = arith.constant 0 : index
    %get3A_1 = vector.load %arg1[%get3A, %get3A_0] : memref<8x100096xf32, #tpu.memory_space<vmem>>, vector<8x100096xf32>
    %get3A_2 = arith.constant 0 : index
    %get3A_3 = arith.constant 0 : index
    %get3A_4 = vector.load %arg0[%get3A_2, %get3A_3] : memref<8x200192xf32, #tpu.memory_space<vmem>>, vector<8x100096xf32>
    %get3A_5 = arith.constant 0 : index
    %get3A_6 = arith.constant 100096 : index
    %get3A_7 = vector.load %arg0[%get3A_5, %get3A_6] : memref<8x200192xf32, #tpu.memory_space<vmem>>, vector<8x100096xf32>
    %add3A = arith.addf %get3A_4, %get3A_7 : vector<8x100096xf32>
    %add3A_8 = arith.addf %add3A, %get3A_1 : vector<8x100096xf32>
    %get3A_9 = arith.constant 0 : index
    %get3A_10 = arith.constant 0 : index
    %get3A_11 = vector.load %arg2[%get3A_9, %get3A_10] : memref<1x100096xf32, #tpu.memory_space<vmem>>, vector<1x100096xf32>
    %mul3A = vector.broadcast %get3A_11 : vector<1x100096xf32> to vector<8x100096xf32>
    %mul3A_12 = arith.mulf %add3A_8, %mul3A : vector<8x100096xf32>
    %iota3A = tpu.iota {dimensions = array<i32: 0>} : vector<8x100096xi32>
    %iota3A_13 = tpu.iota {dimensions = array<i32: 1>} : vector<8x100096xi32>
    %lt3A = arith.constant 100000 : i32
    %lt3A_14 = vector.broadcast %lt3A : i32 to vector<8x100096xi32>
    %lt3A_15 = arith.cmpi slt, %iota3A_13, %lt3A_14 : vector<8x100096xi32>
    %jit3A = arith.constant 1.000000e+00 : f32
    %jit3A_16 = arith.constant 0.000000e+00 : f32
    %broadcast_in_dim3A = vector.broadcast %jit3A : f32 to vector<8x100096xf32>
    %broadcast_in_dim3A_17 = vector.broadcast %jit3A_16 : f32 to vector<8x100096xf32>
    %select_n3A = arith.select %lt3A_15, %broadcast_in_dim3A, %broadcast_in_dim3A_17 : vector<8x100096xi1>, vector<8x100096xf32>
    %eq3A = arith.constant 4 : i32
    %eq3A_18 = vector.broadcast %eq3A : i32 to vector<8x100096xi32>
    %eq3A_19 = arith.cmpi eq, %iota3A, %eq3A_18 : vector<8x100096xi32>
    %eq3A_20 = arith.constant 5 : i32
    %eq3A_21 = vector.broadcast %eq3A_20 : i32 to vector<8x100096xi32>
    %eq3A_22 = arith.cmpi eq, %iota3A, %eq3A_21 : vector<8x100096xi32>
    %select_n3A_23 = arith.select %eq3A_22, %select_n3A, %mul3A_12 : vector<8x100096xi1>, vector<8x100096xf32>
    %select_n3A_24 = arith.select %eq3A_19, %get3A_1, %select_n3A_23 : vector<8x100096xi1>, vector<8x100096xf32>
    %get3A_25 = arith.constant 0 : index
    %get3A_26 = arith.constant 0 : index
    %get3A_27 = vector.load %arg3[%get3A_25, %get3A_26] : memref<1x100096xi32, #tpu.memory_space<vmem>>, vector<1x100096xi32>
    %iota3A_28 = tpu.iota {dimensions = array<i32: 0>} : vector<64x100096xi32>
    %eq3A_29 = vector.broadcast %get3A_27 : vector<1x100096xi32> to vector<64x100096xi32>
    %eq3A_30 = arith.cmpi eq, %eq3A_29, %iota3A_28 : vector<64x100096xi32>
    %convert_element_type3A = arith.extui %eq3A_30 : vector<64x100096xi1> to vector<64x100096xi32>
    %convert_element_type3A_31 = arith.sitofp %convert_element_type3A : vector<64x100096xi32> to vector<64x100096xf32>
    %dot_general3A = arith.constant dense<0.000000e+00> : vector<8x64xf32>
    %dot_general3A_32 = tpu.matmul %select_n3A_24, %convert_element_type3A_31, %dot_general3A {dimension_numbers = #tpu.dot_dimension_numbers<[1], [1], [0], [0], [0, 0, 1, 0], [], []>, precision = #tpu.contract_precision<fp32>, transpose_lhs_hint = false} : vector<8x100096xf32>, vector<64x100096xf32>, vector<8x64xf32> -> vector<8x64xf32>
    %get3A_33 = arith.constant 0 : index
    %get3A_34 = arith.constant 0 : index
    %get3A_35 = vector.load %arg4[%get3A_33, %get3A_34] : memref<4x64xf32, #tpu.memory_space<vmem>>, vector<4x64xf32>
    %get3A_36 = arith.constant 0 : index
    %get3A_37 = arith.constant 0 : index
    %get3A_38 = vector.load %arg6[%get3A_36, %get3A_37] : memref<64x64xf32, #tpu.memory_space<vmem>>, vector<64x64xf32>
    %dot_general3A_39 = arith.constant dense<0.000000e+00> : vector<4x64xf32>
    %dot_general3A_40 = tpu.matmul %get3A_35, %get3A_38, %dot_general3A_39 {dimension_numbers = #tpu.dot_dimension_numbers<[1], [0], [0], [1], [0, 0, 1, 1], [], []>, precision = #tpu.contract_precision<fp32>, transpose_lhs_hint = false} : vector<4x64xf32>, vector<64x64xf32>, vector<4x64xf32> -> vector<4x64xf32>
    %slice3A = vector.extract_strided_slice %dot_general3A_32 {offsets = [0, 0], sizes = [4, 64], strides = [1, 1]} : vector<8x64xf32> to vector<4x64xf32>
    %dot_general3A_41 = arith.constant dense<0.000000e+00> : vector<64x64xf32>
    %dot_general3A_42 = tpu.matmul %slice3A, %dot_general3A_40, %dot_general3A_41 {dimension_numbers = #tpu.dot_dimension_numbers<[0], [0], [1], [1], [0, 1, 1, 1], [], []>, precision = #tpu.contract_precision<fp32>, transpose_lhs_hint = false} : vector<4x64xf32>, vector<4x64xf32>, vector<64x64xf32> -> vector<64x64xf32>
    %slice3A_43 = vector.extract_strided_slice %dot_general3A_32 {offsets = [4, 0], sizes = [1, 64], strides = [1, 1]} : vector<8x64xf32> to vector<1x64xf32>
    %get3A_44 = arith.constant 0 : index
    %get3A_45 = arith.constant 0 : index
    %get3A_46 = vector.load %arg5[%get3A_44, %get3A_45] : memref<1x64xf32, #tpu.memory_space<vmem>>, vector<1x64xf32>
    %get3A_47 = arith.constant 0 : index
    %get3A_48 = arith.constant 0 : index
    %get3A_49 = vector.load %arg6[%get3A_47, %get3A_48] : memref<64x64xf32, #tpu.memory_space<vmem>>, vector<64x64xf32>
    %dot_general3A_50 = arith.constant dense<0.000000e+00> : vector<1x64xf32>
    %dot_general3A_51 = tpu.matmul %get3A_46, %get3A_49, %dot_general3A_50 {dimension_numbers = #tpu.dot_dimension_numbers<[1], [0], [0], [1], [0, 0, 1, 1], [], []>, precision = #tpu.contract_precision<fp32>, transpose_lhs_hint = false} : vector<1x64xf32>, vector<64x64xf32>, vector<1x64xf32> -> vector<1x64xf32>
    %dot_general3A_52 = arith.constant dense<0.000000e+00> : vector<64x64xf32>
    %dot_general3A_53 = tpu.matmul %slice3A_43, %dot_general3A_51, %dot_general3A_52 {dimension_numbers = #tpu.dot_dimension_numbers<[0], [0], [1], [1], [0, 1, 1, 1], [], []>, precision = #tpu.contract_precision<fp32>, transpose_lhs_hint = false} : vector<1x64xf32>, vector<1x64xf32>, vector<64x64xf32> -> vector<64x64xf32>
    %add3A_54 = arith.addf %dot_general3A_42, %dot_general3A_53 : vector<64x64xf32>
    %slice3A_55 = vector.extract_strided_slice %dot_general3A_32 {offsets = [5, 0], sizes = [1, 64], strides = [1, 1]} : vector<8x64xf32> to vector<1x64xf32>
    %get3A_56 = arith.constant 0 : index
    %get3A_57 = arith.constant 0 : index
    %get3A_58 = vector.load %arg7[%get3A_56, %get3A_57] : memref<1x64xf32, #tpu.memory_space<vmem>>, vector<1x64xf32>
    %dot_general3A_59 = arith.constant dense<0.000000e+00> : vector<64x64xf32>
    %dot_general3A_60 = tpu.matmul %slice3A_55, %get3A_58, %dot_general3A_59 {dimension_numbers = #tpu.dot_dimension_numbers<[0], [0], [1], [1], [0, 1, 1, 1], [], []>, precision = #tpu.contract_precision<fp32>, transpose_lhs_hint = false} : vector<1x64xf32>, vector<1x64xf32>, vector<64x64xf32> -> vector<64x64xf32>
    %add3A_61 = arith.addf %add3A_54, %dot_general3A_60 : vector<64x64xf32>
    %reduce_sum3A = arith.constant dense<0.000000e+00> : vector<64xf32>
    %reduce_sum3A_62 = vector.multi_reduction <add>, %add3A_61, %reduce_sum3A [0] : vector<64x64xf32> to vector<64xf32>
    %div3A = arith.constant 6.400000e+01 : f32
    %div3A_63 = vector.broadcast %div3A : f32 to vector<64xf32>
    %div3A_64 = arith.divf %reduce_sum3A_62, %div3A_63 : vector<64xf32>
    %broadcast_in_dim3A_65 = vector.shape_cast %div3A_64 : vector<64xf32> to vector<1x64xf32>
    %sub3A = vector.broadcast %broadcast_in_dim3A_65 : vector<1x64xf32> to vector<64x64xf32>
    %sub3A_66 = arith.subf %add3A_61, %sub3A : vector<64x64xf32>
    %mul3A_67 = arith.mulf %sub3A_66, %sub3A_66 : vector<64x64xf32>
    %reduce_sum3A_68 = arith.constant dense<0.000000e+00> : vector<64xf32>
    %reduce_sum3A_69 = vector.multi_reduction <add>, %mul3A_67, %reduce_sum3A_68 [0] : vector<64x64xf32> to vector<64xf32>
    %div3A_70 = arith.constant 6.400000e+01 : f32
    %div3A_71 = vector.broadcast %div3A_70 : f32 to vector<64xf32>
    %div3A_72 = arith.divf %reduce_sum3A_69, %div3A_71 : vector<64xf32>
    %add3A_73 = arith.constant 9.99999974E-6 : f32
    %add3A_74 = vector.broadcast %add3A_73 : f32 to vector<64xf32>
    %add3A_75 = arith.addf %div3A_72, %add3A_74 : vector<64xf32>
    %rsqrt3A = math.rsqrt %add3A_75 : vector<64xf32>
    %broadcast_in_dim3A_76 = vector.shape_cast %rsqrt3A : vector<64xf32> to vector<1x64xf32>
    %mul3A_77 = vector.broadcast %broadcast_in_dim3A_76 : vector<1x64xf32> to vector<64x64xf32>
    %mul3A_78 = arith.mulf %sub3A_66, %mul3A_77 : vector<64x64xf32>
    %get3A_79 = arith.constant 0 : index
    %get3A_80 = arith.constant 0 : index
    %get3A_81 = vector.load %arg8[%get3A_79, %get3A_80] : memref<1x64xf32, #tpu.memory_space<vmem>>, vector<1x64xf32>
    %mul3A_82 = vector.broadcast %get3A_81 : vector<1x64xf32> to vector<64x64xf32>
    %mul3A_83 = arith.mulf %mul3A_78, %mul3A_82 : vector<64x64xf32>
    %get3A_84 = arith.constant 0 : index
    %get3A_85 = arith.constant 0 : index
    %get3A_86 = vector.load %arg9[%get3A_84, %get3A_85] : memref<1x64xf32, #tpu.memory_space<vmem>>, vector<1x64xf32>
    %add3A_87 = vector.broadcast %get3A_86 : vector<1x64xf32> to vector<64x64xf32>
    %add3A_88 = arith.addf %mul3A_83, %add3A_87 : vector<64x64xf32>
    %get3A_89 = arith.constant 0 : index
    %get3A_90 = arith.constant 0 : index
    %get3A_91 = vector.load %arg10[%get3A_89, %get3A_90] : memref<64x64xf32, #tpu.memory_space<vmem>>, vector<64x64xf32>
    %dot_general3A_92 = arith.constant dense<0.000000e+00> : vector<64x64xf32>
    %dot_general3A_93 = tpu.matmul %add3A_88, %get3A_91, %dot_general3A_92 {dimension_numbers = #tpu.dot_dimension_numbers<[1], [0], [0], [1], [0, 0, 1, 1], [], []>, precision = #tpu.contract_precision<fp32>, transpose_lhs_hint = false} : vector<64x64xf32>, vector<64x64xf32>, vector<64x64xf32> -> vector<64x64xf32>
    %get3A_94 = arith.constant 0 : index
    %get3A_95 = arith.constant 0 : index
    %get3A_96 = vector.load %arg11[%get3A_94, %get3A_95] : memref<1x64xf32, #tpu.memory_space<vmem>>, vector<1x64xf32>
    %add3A_97 = vector.broadcast %get3A_96 : vector<1x64xf32> to vector<64x64xf32>
    %add3A_98 = arith.addf %dot_general3A_93, %add3A_97 : vector<64x64xf32>
    %get3A_99 = arith.constant 0 : index
    %get3A_100 = arith.constant 0 : index
    %get3A_101 = vector.load %arg12[%get3A_99, %get3A_100] : memref<64x64xf32, #tpu.memory_space<vmem>>, vector<64x64xf32>
    %dot_general3A_102 = arith.constant dense<0.000000e+00> : vector<64x64xf32>
    %dot_general3A_103 = tpu.matmul %add3A_98, %get3A_101, %dot_general3A_102 {dimension_numbers = #tpu.dot_dimension_numbers<[1], [0], [0], [1], [0, 0, 1, 1], [], []>, precision = #tpu.contract_precision<fp32>, transpose_lhs_hint = false} : vector<64x64xf32>, vector<64x64xf32>, vector<64x64xf32> -> vector<64x64xf32>
    %get3A_104 = arith.constant 0 : index
    %get3A_105 = arith.constant 0 : index
    %get3A_106 = vector.load %arg13[%get3A_104, %get3A_105] : memref<1x64xf32, #tpu.memory_space<vmem>>, vector<1x64xf32>
    %add3A_107 = vector.broadcast %get3A_106 : vector<1x64xf32> to vector<64x64xf32>
    %add3A_108 = arith.addf %dot_general3A_103, %add3A_107 : vector<64x64xf32>
    %get3A_109 = arith.constant 0 : index
    %get3A_110 = arith.constant 0 : index
    %get3A_111 = vector.load %arg14[%get3A_109, %get3A_110] : memref<64x1xf32, #tpu.memory_space<vmem>>, vector<64x1xf32>
    %dot_general3A_112 = arith.constant dense<0.000000e+00> : vector<64x1xf32>
    %dot_general3A_113 = tpu.matmul %add3A_108, %get3A_111, %dot_general3A_112 {dimension_numbers = #tpu.dot_dimension_numbers<[1], [0], [0], [1], [0, 0, 1, 1], [], []>, precision = #tpu.contract_precision<fp32>, transpose_lhs_hint = false} : vector<64x64xf32>, vector<64x1xf32>, vector<64x1xf32> -> vector<64x1xf32>
    %get3A_114 = arith.constant 0 : index
    %get3A_115 = arith.constant 0 : index
    %get3A_116 = vector.load %arg15[%get3A_114, %get3A_115] : memref<1x1xf32, #tpu.memory_space<vmem>>, vector<1x1xf32>
    %add3A_117 = vector.broadcast %get3A_116 : vector<1x1xf32> to vector<64x1xf32>
    %add3A_118 = arith.addf %dot_general3A_113, %add3A_117 : vector<64x1xf32>
    %swap3A = arith.constant 0 : index
    %swap3A_119 = arith.constant 0 : index
    %swap3A_120 = vector.load %arg16[%swap3A, %swap3A_119] : memref<64x1xf32, #tpu.memory_space<vmem>>, vector<64x1xf32>
    tpu.vector_store %arg16[%swap3A, %swap3A_119], %add3A_118 {strides = array<i32>} : memref<64x1xf32, #tpu.memory_space<vmem>>, vector<64x1xf32>,
    return
  }
}

</mosaic_0001>

<sc_bundles>
// kernel: kernel.11.cloned.1.call-start
scs
__scs_entry_jumppad:
0x0: {  	(pc) =	sbr.rel $0x88, $3  }
0x1: {  	(tag) =	ssettag $0x0;
	lr =	simm.s32 $0x1  }
0x2: {  	[smem:$0x3F90] =	sst lr;
	_ =	strace $0xD0000000  }
0x3: {  	_ = 	snop  }
0x4: {  	_ = 	snop  }
0x5: {  	_ = 	snop  }
0x6: {  	_ = 	snop  }
0x7: {  	_ = 	snop  }
__scs_overlays_trampoline_lowered:
0x8: {  	[smem:$0x3F9F] =	sst s0  }
0x9: {  	[smem:$0x3FA0] =	sst s1  }
0xa: {  	[smem:$0x3FA1] =	sst s2  }
0xb: {  	[smem:$0x3FA2] =	sst s3  }
0xc: {  	[smem:$0x3FA3] =	sst s4  }
0xd: {  	[smem:$0x3FA4] =	sst s5  }
0xe: {  	[smem:$0x3FA5] =	sst s6  }
0xf: {  	[smem:$0x3FA6] =	sst s7  }
0x10: {  	[smem:$0x3FA7] =	sst s8  }
0x11: {  	[smem:$0x3FA8] =	sst s9;
	s0 =	simm.s32 @!p0 $0x0  }
0x12: {  	s1 =	sld [smem:$0x3F8E];
	s0 =	simm.s32 @p0 $0x1  }
0x13: {  	[smem:$0x3FA9] =	sst s0;
	s0 =	simm.s32 @!p1 $0x0  }
0x14: {  	s2 =	sld [smem:$0x3F8D];
	s0 =	simm.s32 @p1 $0x1  }
0x15: {  	[smem:$0x3FAA] =	sst s0;
	s0 =	simm.s32 @!p2 $0x0  }
0x16: {  	s3 =	sld [smem:$0x3FDB];
	s0 =	simm.s32 @p2 $0x1  }
0x17: {  	s4 =	simm.s32 $0x1BF5;
	[smem:$0x3FAC] =	sst s0  }
0x18: {  	s0 =	sld [smem:$0x3F8F];
	_ =	swait.ge [sflag:s4], $0x0  }
0x19: {  	s7 =	sld [smem:$0x3F90]  }
0x1a: {  	s8 =	sadd.s32 $0xFFFFE003, lr  }
0x1b: {  	s9 =	sadd.s32 $0xFFFFFEF7, lr;
	s5 =	simm.s32 $0xFFFFFFFF;
	p2 =	slt.u32 s8, $0xFFFFF086  }
0x1c: {  	p1 =	slt.u32 s9, $0xF7A;
	s5 =	simm.s32 @!p2 $0x0  }
0x1d: {  	s5 =	simm.s32 @p1 $0x1;
	p0 =	seq.s32 s7, s2  }
0x1e: {  	s7 =	smul.u32 @!p0 $0xF7A, s2;
	p2 =	seq.s32 @!p0 s5, $0x0  }
0x1f: {  	s9 =	smul.u32 $0xF7A, s1;
	s8 =	simm.s32 @!p0 $0x1BF5;
	p2 =	por !p2, p0  }
0x20: {  	[sflag:s8] =	ssyncset.s32 @!p0 $0xFFFFF086;
	s6 =	sadd.s32 @!p0 s3, s7;
	s7 =	simm.s32 @!p0 $0x108  }
0x21: {  	s3 =	sadd.s32 s3, s9;
	s6 =	sadd.s32 @!p0 $0x88, s6;
	s7 =	simm.s32 @p2 $0x1082  }
0x22: {  	[simem:s7], [sflag:s8] =	dma.local @!p0 [hbm:s6], $0xF7A  }
0x23: {  	s9 =	sor.u32 $0xD0000000, s2;
	s6 =	simm.s32 $0x108;
	_ =	swait.ge @!p0 [sflag:s8], $0x0  }
0x24: {  	s3 =	sadd.s32 $0x88, s3;
	s6 =	simm.s32 @!p1 $0x1082;
	[sflag:s4] =	ssyncset.s32 $0xFFFFF086  }
0x25: {  	[simem:s6], [sflag:s4] =	dma.local [hbm:s3], $0xF7A  }
0x26: {  	[smem:$0x3F90] =	sst s1;
	(tag) =	ssettag s2;
	_ =	strace s9  }
0x27: {  	s1 =	sld [smem:$0x3FA0]  }
0x28: {  	s2 =	sld [smem:$0x3FA1]  }
0x29: {  	s4 =	sld [smem:$0x3FA3]  }
0x2a: {  	p0 =	seq.s32 s5, $0x0;
	s5 =	sld [smem:$0x3FA4]  }
0x2b: {  	s6 =	sld [smem:$0x3FA5]  }
0x2c: {  	s7 =	sld [smem:$0x3FA6]  }
0x2d: {  	s3 =	simm.s32 $0x108;
	s8 =	sld [smem:$0x3FA7]  }
0x2e: {  	s3 =	simm.s32 @!p0 $0x1082;
	s9 =	sld [smem:$0x3FA8]  }
0x2f: {  	lr =	sadd.s32 s0, s3;
	s0 =	sld [smem:$0x3F9F]  }
0x30: {  	s3 =	sld [smem:$0x3FA2]  }
0x31: {  	[smem:$0x3FAB] =	sst s10  }
0x32: {  	s10 =	sld [smem:$0x3FA9];
	_ =	sdelay $0x3  }
0x33: {  	p0 =	seq.s32 s10, $0x1;
	s10 =	sld [smem:$0x3FAB];
	_ =	sdelay $0x3  }
0x34: {  	[smem:$0x3FAB] =	sst s10  }
0x35: {  	s10 =	sld [smem:$0x3FAA];
	_ =	sdelay $0x3  }
0x36: {  	p1 =	seq.s32 s10, $0x1;
	s10 =	sld [smem:$0x3FAB];
	_ =	sdelay $0x3  }
0x37: {  	[smem:$0x3FAB] =	sst s10  }
0x38: {  	s10 =	sld [smem:$0x3FAC]  }
0x39: {  	_ = 	snop;
	(pc) =	sbr.ind lr, $3  }
0x3a: {  	_ = 	snop  }
0x3b: {  	_ = 	snop  }
0x3c: {  	p2 =	seq.s32 s10, $0x1;
	s10 =	sld [smem:$0x3FAB]  }
0x3d: {  	_ =	shalt  }
0x3e: {  	_ =	shalt  }
0x3f: {  	_ =	shalt  }
0x40: {  	_ =	shalt  }
0x41: {  	_ =	shalt  }
0x42: {  	_ =	shalt  }
0x43: {  	_ =	shalt  }
0x44: {  	_ =	shalt  }
0x45: {  	_ =	shalt  }
0x46: {  	_ =	shalt  }
0x47: {  	_ =	shalt  }
0x48: {  	_ =	shalt  }
0x49: {  	_ =	shalt  }
0x4a: {  	_ =	shalt  }
0x4b: {  	_ =	shalt  }
0x4c: {  	_ =	shalt  }
0x4d: {  	_ =	shalt  }
0x4e: {  	_ =	shalt  }
0x4f: {  	_ =	shalt  }
0x50: {  	_ =	shalt  }
0x51: {  	_ =	shalt  }
0x52: {  	_ =	shalt  }
0x53: {  	_ =	shalt  }
0x54: {  	_ =	shalt  }
0x55: {  	_ =	shalt  }
0x56: {  	_ =	shalt  }
0x57: {  	_ =	shalt  }
0x58: {  	_ =	shalt  }
0x59: {  	_ =	shalt  }
0x5a: {  	_ =	shalt  }
0x5b: {  	_ =	shalt  }
0x5c: {  	_ =	shalt  }
0x5d: {  	_ =	shalt  }
0x5e: {  	_ =	shalt  }
0x5f: {  	_ =	shalt  }
0x60: {  	_ =	shalt  }
0x61: {  	_ =	shalt  }
0x62: {  	_ =	shalt  }
0x63: {  	_ =	shalt  }
0x64: {  	_ =	shalt  }
0x65: {  	_ =	shalt  }
0x66: {  	_ =	shalt  }
0x67: {  	_ =	shalt  }
0x68: {  	_ =	shalt  }
0x69: {  	_ =	shalt  }
0x6a: {  	_ =	shalt  }
0x6b: {  	_ =	shalt  }
0x6c: {  	_ =	shalt  }
0x6d: {  	_ =	shalt  }
0x6e: {  	_ =	shalt  }
0x6f: {  	_ =	shalt  }
0x70: {  	_ =	shalt  }
0x71: {  	_ =	shalt  }
0x72: {  	_ =	shalt  }
0x73: {  	_ =	shalt  }
0x74: {  	_ =	shalt  }
0x75: {  	_ =	shalt  }
0x76: {  	_ =	shalt  }
0x77: {  	_ =	shalt  }
0x78: {  	_ =	shalt  }
0x79: {  	_ =	shalt  }
0x7a: {  	_ =	shalt  }
0x7b: {  	_ =	shalt  }
0x7c: {  	_ =	shalt  }
0x7d: {  	_ =	shalt  }
0x7e: {  	_ =	shalt  }
0x7f: {  	_ =	shalt  }
0x80: {  	_ =	shalt  }
0x81: {  	_ =	shalt  }
0x82: {  	_ =	shalt  }
0x83: {  	_ =	shalt  }
0x84: {  	_ =	shalt  }
0x85: {  	_ =	shalt  }
0x86: {  	_ =	shalt  }
0x87: {  	_ =	shalt  }
.Lfunc_end0:
.L_simem_size_0:
called_computation.1_lowered:
.L_overlay_start_0:
0x88: {  	s2 =	sld [smem:$0x3FD9]  }
0x89: {  	s3 =	sld [smem:$0x3FFE];
	_ =	sdelay $0x1  }
0x8a: {  	s1 =	srdreg.scid  }
0x8b: {  	s0 =	sand.u32 $0x1, s1  }
0x8c: {  	s16 =	sshll.u32 s0, $0xA;
	s2 =	sadd.s32 s3, s2  }
0x8d: {  	s2 =	sadd.s32 s2, s16  }
0x8e: {  	[smem:$0x3FB7] =	sst s2  }
0x8f: {  	_ = 	snop  }
0x90: {  	(tm) =	ssettm $0x1  }
0x91: {  	s17 =	sld [smem:$0x3FFB];
	_ =	sdelay $0x3  }
0x92: {  	_ =	strace s17  }
0x93: {  	s2 =	sld [smem:$0x3FFC];
	_ =	sdelay $0x3  }
0x94: {  	_ =	strace s2  }
0x95: {  	s2 =	sld [smem:$0x3FFD];
	_ =	sdelay $0x3  }
0x96: {  	_ =	strace s2  }
0x97: {  	_ =	strace $0x8FFFFFFF  }
0x98: {  	s18 =	sld [smem:$0x3FDB];
	_ =	sdelay $0x1  }
0x99: {  	s19 =	simm.s32 $_scs_section_size  }
0x9a: {  	s4 =	simm.s32 $_size__tile_overlayer_lowered;
	s5 =	simm.s32 $_tile_overlayer_lowered  }
0x9b: {  	s22 =	simm.s32 $0x1BFF;
	s21 =	sshll.u32 s5, $0x1;
	s2 =	sadd.s32 s19, s18  }
0x9c: {  	s6 =	simm.s32 $0x0;
	s20 =	sshll.u32 s4, $0x1;
	s4 =	sadd.s32 s21, s2  }
0x9d: {  	[timem:s6], [sflag:s22] =	dma.local [hbm:s4], s20  }
0x9e: {  	_ =	swait.ge [sflag:s22], s20  }
0x9f: {  	s3 =	ssub.s32 $0x0, s20;
	[sflag:s22] =	ssyncset.done $0x0  }
0xa0: {  	[sflag:s22] =	ssyncadd.s32 s3;
	_ =	sdelay $0x1  }
0xa1: {  	s23 =	simm.s32 $0x1B8B  }
0xa2: {  	_ =	swait.ge [sflag:s23], $0x1  }
0xa3: {  	[sflag:s23] =	ssyncset.done $0x0  }
0xa4: {  	s25 =	simm.s32 $0x1B8E;
	s24 =	sld [smem:$0x3FFE];
	[sflag:s23] =	ssyncadd.s32 $0xFFFFFFFF  }
0xa5: {  	s26 =	simm.s32 $execute0_lowered;
	[smem:$0x3FD2] =	sst s25  }
0xa6: {  	s4 =	sshll.u32 s26, $0x1;
	_ =	strace $0x80000049;
	[dreg:$0x1] =	wrdreg $0xFFFFFFFF  }
0xa7: {  	s28 =	simm.s32 $_size_execute0_lowered;
	s2 =	sadd.s32 s2, s4;
	[dreg:$0x0] =	wrdreg $0x0  }
0xa8: {  	s4 =	sshll.u32 s28, $0x1;
	[dreg:$0x2] =	wrdreg s2  }
0xa9: {  	[dreg:$0x3] =	wrdreg s4  }
0xaa: {  	[dreg:$0x4] =	wrdreg $0xC0  }
0xab: {  	_ =	task [dreg:s6], $0x5FFFF  }
0xac: {  	[dreg:$0x1] =	wrdreg $0xFFFFFFFF  }
0xad: {  	[dreg:$0x0] =	wrdreg $0x60  }
0xae: {  	[dreg:$0x2] =	wrdreg s24  }
0xaf: {  	[dreg:$0x3] =	wrdreg $0x0  }
0xb0: {  	[dreg:$0x4] =	wrdreg $0x9  }
0xb1: {  	_ =	task.clear_ibuf [dreg:s6], $0x5FFFF;
	_ =	strace $0x90000049  }
0xb2: {  	s29 =	simm.s32 $0x9;
	_ =	strace $0x8000004B  }
0xb3: {  	_ =	swait.ge [sflag:s29], $0x1  }
0xb4: {  	[sflag:s29] =	ssyncadd.s32 $0xFFFFFFFF  }
0xb5: {  	_ =	strace $0x9000004B  }
0xb6: {  	_ =	sfence  }
0xb7: {  	s30 =	sld [smem:$0x0];
	_ =	sdelay $0x2  }
0xb8: {  	s31 =	sshll.u32 s1, $0xD;
	s1 =	sshrl.u32 s1, $0x2  }
0xb9: {  	s3 =	sand.u32 $0x4000, s31;
	s1 =	sadd.s32 s1, s30  }
0xba: {  	s0 =	sor.u32 s3, s0;
	s1 =	sshll.u32 s1, $0x11  }
0xbb: {  	s0 =	sor.u32 s1, s0  }
0xbc: {  	s0 =	sadd.s32 $0x8F2B, s0  }
0xbd: {  	[sflag:s0] =	ssyncadd.remote.s32 $0x1  }
0xbe: {  	_ =	sfence.sel $0xFFFF  }
0xbf: {  	[dreg:$0x0] =	wrdreg $0xFFFFFFFF;
	(pc) =	sbr.abs _section_cstart, $3  }
0xc0: {  	[dreg:$0x1] =	wrdreg $0xFFFFFFFF  }
0xc1: {  	_ =	task.clear_ibuf [dreg:s6], $0x2FFFF;
	_ =	strace $0x9FFFFFFF  }
0xc2: {  	(tm) =	ssettm $0x7FFFFFFF  }
0xc3: {  	_ =	shalt  }
tec
execute0_lowered:
.L_overlay_start_1:
0x0: {  	(tag) =	ssettag $0x1  }
0x1: {  	s5 =	rddreg [dreg:$0x0]  }
0x2: {  	s2 =	rddreg [dreg:$0x1]  }
0x3: {  	s0 =	srdreg.scid;
	s1 =	rddreg [dreg:$0x2];
	s3 =	simm.s32 $0x0  }
0x4: {  	s12 =	simm.s32 $0x1;
	s13 =	simm.s32 $0xC380;
	s6 =	sand.u32 $0x1, s0  }
0x5: {  	s14 =	simm.s32 $0xC580;
	s0 =	stileid.u32;
	s4 =	smul.u32 $0xC4000, s6  }
0x6: {  	s15 =	simm.s32 $0x200;
	s16 =	simm.s32 $0xC780;
	s7 =	smul.u32 $0xC400, s0  }
0x7: {  	s17 =	simm.s32 $0x0;
	[smem:$0x7FF] =	sst s3;
	s30 =	smul.u32 $0xC380, s0  }
0x8: {  	_ =	strace $0x8000004A;
	s8 =	smul.u32 $0x1870, s0;
	s11 =	ssub.s32 $0x2, s6  }
0x9: {  	s6 =	smul.u32 $0x18700, s6;
	s31 =	sshrl.u32 s11, $0x1;
	s4 =	sadd.s32 s7, s4  }
0xa: {  	s9 =	sshrl.u32 s30, $0x3;
	s8 =	sadd.s32 s8, s5;
	s11 =	ssub.s32 s11, s31  }
0xb: {  	s4 =	sshrl.u32 s4, $0x3;
	s9 =	sadd.s32 s9, s5;
	s8 =	sadd.s32 s6, s8  }
0xc: {  	s6 =	sadd.s32 s30, s2;
	s10 =	sadd.s32 s4, s5;
	s4 =	sadd.s32 $0x1EB600, s5  }
0xd: {  	s5 =	sadd.s32 $0x64600, s9;
	s7 =	sadd.s32 $0x7CE00, s8;
	s8 =	smax.u32 s11, $0x1  }
0xe: {  	s11 =	simm.s32 $0xD780;
	s9 =	sadd.s32 $0x2600, s10;
	s10 =	sadd.s32 $0x33600, s10  }
.LBB2_1:
0xf: {  	[tilespmem:s11], [sflag:$0x1] =	stream.linear.gather [hbm4b:s5+s3], $0xC380, $0x38;
	[tilespmem:$0x19B00] =	vst v63  }
0x10: {  	_ =	swait.ge [sflag:s12], $0xC380  }
0x11: {  	[sflag:s12] =	ssyncset.done $0x0  }
0x12: {  	[sflag:s12] =	ssyncadd.s32 $0xFFFF3C80  }
0x13: {  	[spmem:s6] =	stream.linear.scatter [tilespmem:s11], [sflag:$0x1], $0xC380, $0x38;
	[tilespmem:$0x19B00] =	vst v63  }
0x14: {  	_ =	swait.ge [sflag:s12], $0xC380  }
0x15: {  	[sflag:s12] =	ssyncset.done $0x0  }
0x16: {  	[sflag:s12] =	ssyncadd.s32 $0xFFFF3C80  }
0x17: {  	s18 =	sadd.s32 $0x0, s10;
	[bflag:$0x0] =	sbarrier.arrive $0xFFFF  }
0x18: {  	[tilespmem:s13], [sflag:$0x1] =	stream.linear.gather [hbm4b:s18+s3], $0x200, $0x38;
	[tilespmem:$0x19B00] =	vst v63  }
0x19: {  	_ =	swait.ge [sflag:s12], $0x200  }
0x1a: {  	[sflag:s12] =	ssyncset.done $0x0  }
0x1b: {  	s31 =	sadd.s32 $0x0, s9;
	[sflag:s12] =	ssyncadd.s32 $0xFFFFFE00  }
0x1c: {  	[tilespmem:s14], [sflag:$0x1] =	stream.linear.gather [hbm4b:s31+s3], $0x200, $0x38;
	[tilespmem:$0x19B00] =	vst v63  }
0x1d: {  	_ =	swait.ge [sflag:s12], $0x200  }
0x1e: {  	[sflag:s12] =	ssyncset.done $0x0  }
0x1f: {  	[sflag:s12] =	ssyncadd.s32 $0xFFFFFE00  }
0x20: {  	[tilespmem:s16], [sflag:$0x1] =	stream.indirect.gather [hbm4b:s4+s15], $0x8, s13, s15, $0xb8;
	[tilespmem:$0x19B00] =	vst v63  }
0x21: {  	_ =	swait.ge [sflag:s12], $0x1000  }
0x22: {  	[sflag:s12] =	ssyncset.done $0x0  }
0x23: {  	[sflag:s12] =	ssyncadd.s32 $0xFFFFF000  }
0x24: {  	[spmem:s2] =	stream.indirect.scatter.add.f32 [tilespmem:s16], [sflag:$0x1], $0x8, s14, s15, $0xb8;
	[tilespmem:$0x19B00] =	vst v63  }
0x25: {  	_ =	swait.ge [sflag:s12], $0x1000  }
0x26: {  	s19 =	simm.s32 $0x80;
	s18 =	simm.s32 $0x40;
	[sflag:s12] =	ssyncset.done $0x0  }
.LBB2_2:
0x27: {  	s20 =	sadd.s32 s18, s10  }
0x28: {  	[sflag:s12] =	ssyncadd.s32 $0xFFFFF000;
	s21 =	smov.u32 s19;
	s22 =	sadd.s32 $0x40, s19  }
0x29: {  	[tilespmem:s13], [sflag:$0x1] =	stream.linear.gather [hbm4b:s20+s3], $0x200, $0x38;
	[tilespmem:$0x19B00] =	vst v63  }
0x2a: {  	p0 =	sne.s32 s19, $0x1840;
	_ =	swait.ge [sflag:s12], $0x200  }
0x2b: {  	[sflag:s12] =	ssyncset.done $0x0  }
0x2c: {  	s19 =	sadd.s32 s18, s9;
	s18 =	smov.u32 s21;
	[sflag:s12] =	ssyncadd.s32 $0xFFFFFE00  }
0x2d: {  	[tilespmem:s14], [sflag:$0x1] =	stream.linear.gather [hbm4b:s19+s3], $0x200, $0x38;
	[tilespmem:$0x19B00] =	vst v63  }
0x2e: {  	_ =	swait.ge [sflag:s12], $0x200  }
0x2f: {  	[sflag:s12] =	ssyncset.done $0x0  }
0x30: {  	[sflag:s12] =	ssyncadd.s32 $0xFFFFFE00  }
0x31: {  	[tilespmem:s16], [sflag:$0x1] =	stream.indirect.gather [hbm4b:s4+s15], $0x8, s13, s15, $0xb8;
	[tilespmem:$0x19B00] =	vst v63  }
0x32: {  	_ =	swait.ge [sflag:s12], $0x1000  }
.Ltmp0:
0x33: {  	[sflag:s12] =	ssyncset.done $0x0;
	(pc) =	sbr.rel @p0 .LBB2_2-.Ltmp0, $4  }
0x34: {  	[sflag:s12] =	ssyncadd.s32 $0xFFFFF000  }
0x35: {  	[spmem:s2] =	stream.indirect.scatter.add.f32 [tilespmem:s16], [sflag:$0x1], $0x8, s14, s15, $0xb8;
	[tilespmem:$0x19B00] =	vst v63  }
0x36: {  	_ =	swait.ge [sflag:s12], $0x1000  }
0x37: {  	s19 =	smov.u32 s22;
	[sflag:s12] =	ssyncset.done $0x0  }
0x38: {  	s19 =	sadd.s32 s18, s10;
	[sflag:s12] =	ssyncadd.s32 $0xFFFFF000  }
0x39: {  	[tilespmem:s13], [sflag:$0x1] =	stream.linear.gather [hbm4b:s19+s3], $0x200, $0x38;
	[tilespmem:$0x19B00] =	vst v63  }
0x3a: {  	_ =	swait.ge [sflag:s12], $0x200  }
0x3b: {  	[sflag:s12] =	ssyncset.done $0x0  }
0x3c: {  	s31 =	sadd.s32 s18, s9;
	[sflag:s12] =	ssyncadd.s32 $0xFFFFFE00  }
0x3d: {  	[tilespmem:s14], [sflag:$0x1] =	stream.linear.gather [hbm4b:s31+s3], $0x200, $0x38;
	[tilespmem:$0x19B00] =	vst v63  }
0x3e: {  	_ =	swait.ge [sflag:s12], $0x200  }
0x3f: {  	[sflag:s12] =	ssyncset.done $0x0  }
0x40: {  	[sflag:s12] =	ssyncadd.s32 $0xFFFFFE00  }
0x41: {  	[tilespmem:s16], [sflag:$0x1] =	stream.indirect.gather [hbm4b:s4+s15], $0x8, s13, s15, $0xb8;
	[tilespmem:$0x19B00] =	vst v63  }
0x42: {  	_ =	swait.ge [sflag:s12], $0x1000  }
0x43: {  	[sflag:s12] =	ssyncset.done $0x0  }
0x44: {  	[sflag:s12] =	ssyncadd.s32 $0xFFFFF000  }
0x45: {  	[spmem:s2] =	stream.indirect.scatter.add.f32 [tilespmem:s16], [sflag:$0x1], $0x8, s14, s15, $0xb8;
	[tilespmem:$0x19B00] =	vst v63  }
0x46: {  	_ =	swait.ge [sflag:s12], $0x1000  }
0x47: {  	[sflag:s12] =	ssyncset.done $0x0  }
0x48: {  	[sflag:s12] =	ssyncadd.s32 $0xFFFFF000  }
0x49: {  	[bflag:$0x0] =	sbarrier.arrive $0xFFFF  }
0x4a: {  	[tilespmem:s11], [sflag:$0x1] =	stream.linear.gather [spmem:s6], $0xC380, $0x38;
	[tilespmem:$0x19B00] =	vst v63  }
0x4b: {  	s17 =	sadd.s32 $0x1, s17;
	_ =	swait.ge [sflag:s12], $0xC380  }
0x4c: {  	p0 =	sne.s32 s17, s8;
	[sflag:s12] =	ssyncset.done $0x0  }
.Ltmp1:
0x4d: {  	[sflag:s12] =	ssyncadd.s32 $0xFFFF3C80;
	(pc) =	sbr.rel @p0 .LBB2_1-.Ltmp1, $4  }
0x4e: {  	[hbm4b:s7+s3] =	stream.linear.scatter [tilespmem:s11], [sflag:$0x1], $0xC380, $0x38;
	[tilespmem:$0x19B00] =	vst v63  }
0x4f: {  	_ =	swait.ge [sflag:s12], $0xC380  }
0x50: {  	[sflag:s12] =	ssyncset.done $0x0  }
0x51: {  	[sflag:s12] =	ssyncadd.s32 $0xFFFF3C80  }
0x52: {  	_ =	sfence.sel $0x180000  }
0x53: {  	[bflag:$0x0] =	sbarrier.arrive $0xFFFF  }
0x54: {  	p0 =	sne.s32 s0, $0x0;
	_ =	strace $0x9000004A  }
0x55: {  	s0 =	sadd.s32 @!p0 $0x100000, s1;
	[bflag:$0x2] =	sbarrier.arrive $0xFFFF  }
0x56: {  	[sflag:s0] =	ssyncadd.tile.s32 @!p0 $0x1;
	_ =	shalt  }
.Lfunc_end2:
_tile_overlayer_lowered:
.L_overlay_start_2:
0x57: {  	(tag) =	ssettag $0x2  }
0x58: {  	s0 =	rddreg [dreg:$0x0];
	s2 =	stileid.u32  }
0x59: {  	s1 =	rddreg [dreg:$0x1];
	p0 =	sne.s32 s2, $0x0  }
0x5a: {  	s3 =	rddreg [dreg:$0x2];
	[bflag:$0x3] =	sbarrier.arrive $0xFFFF;
	s2 =	simm.s32 @!p0 $0x1C01  }
0x5b: {  	[timem:s3], [sflag:s2] =	dma.local @!p0 [hbm:s0], s1  }
0x5c: {  	s0 =	simm.s32 @!p0 $0x1  }
0x5d: {  	_ =	swait.ge @!p0 [sflag:s0], s1  }
0x5e: {  	s1 =	ssub.s32 @!p0 $0x0, s1;
	[sflag:s0] =	ssyncset.done @!p0 $0x0  }
0x5f: {  	[sflag:s0] =	ssyncadd.s32 @!p0 s1  }
0x60: {  	[bflag:$0x3] =	sbarrier.arrive $0xFFFF  }
0x61: {  	_ =	shalt  }

// kernel: kernel.14.cloned.1.call-start
scs
__scs_entry_jumppad:
0x0: {  	(pc) =	sbr.rel $0x88, $3  }
0x1: {  	(tag) =	ssettag $0x0;
	lr =	simm.s32 $0x1  }
0x2: {  	[smem:$0x3F90] =	sst lr;
	_ =	strace $0xD0000000  }
0x3: {  	_ = 	snop  }
0x4: {  	_ = 	snop  }
0x5: {  	_ = 	snop  }
0x6: {  	_ = 	snop  }
0x7: {  	_ = 	snop  }
__scs_overlays_trampoline_lowered:
0x8: {  	[smem:$0x3F9F] =	sst s0  }
0x9: {  	[smem:$0x3FA0] =	sst s1  }
0xa: {  	[smem:$0x3FA1] =	sst s2  }
0xb: {  	[smem:$0x3FA2] =	sst s3  }
0xc: {  	[smem:$0x3FA3] =	sst s4  }
0xd: {  	[smem:$0x3FA4] =	sst s5  }
0xe: {  	[smem:$0x3FA5] =	sst s6  }
0xf: {  	[smem:$0x3FA6] =	sst s7  }
0x10: {  	[smem:$0x3FA7] =	sst s8  }
0x11: {  	[smem:$0x3FA8] =	sst s9;
	s0 =	simm.s32 @!p0 $0x0  }
0x12: {  	s1 =	sld [smem:$0x3F8E];
	s0 =	simm.s32 @p0 $0x1  }
0x13: {  	[smem:$0x3FA9] =	sst s0;
	s0 =	simm.s32 @!p1 $0x0  }
0x14: {  	s2 =	sld [smem:$0x3F8D];
	s0 =	simm.s32 @p1 $0x1  }
0x15: {  	[smem:$0x3FAA] =	sst s0;
	s0 =	simm.s32 @!p2 $0x0  }
0x16: {  	s3 =	sld [smem:$0x3FDB];
	s0 =	simm.s32 @p2 $0x1  }
0x17: {  	s4 =	simm.s32 $0x1BF5;
	[smem:$0x3FAC] =	sst s0  }
0x18: {  	s0 =	sld [smem:$0x3F8F];
	_ =	swait.ge [sflag:s4], $0x0  }
0x19: {  	s7 =	sld [smem:$0x3F90]  }
0x1a: {  	s8 =	sadd.s32 $0xFFFFE003, lr  }
0x1b: {  	s9 =	sadd.s32 $0xFFFFFEF7, lr;
	s5 =	simm.s32 $0xFFFFFFFF;
	p2 =	slt.u32 s8, $0xFFFFF086  }
0x1c: {  	p1 =	slt.u32 s9, $0xF7A;
	s5 =	simm.s32 @!p2 $0x0  }
0x1d: {  	s5 =	simm.s32 @p1 $0x1;
	p0 =	seq.s32 s7, s2  }
0x1e: {  	s7 =	smul.u32 @!p0 $0xF7A, s2;
	p2 =	seq.s32 @!p0 s5, $0x0  }
0x1f: {  	s9 =	smul.u32 $0xF7A, s1;
	s8 =	simm.s32 @!p0 $0x1BF5;
	p2 =	por !p2, p0  }
0x20: {  	[sflag:s8] =	ssyncset.s32 @!p0 $0xFFFFF086;
	s6 =	sadd.s32 @!p0 s3, s7;
	s7 =	simm.s32 @!p0 $0x108  }
0x21: {  	s3 =	sadd.s32 s3, s9;
	s6 =	sadd.s32 @!p0 $0x88, s6;
	s7 =	simm.s32 @p2 $0x1082  }
0x22: {  	[simem:s7], [sflag:s8] =	dma.local @!p0 [hbm:s6], $0xF7A  }
0x23: {  	s9 =	sor.u32 $0xD0000000, s2;
	s6 =	simm.s32 $0x108;
	_ =	swait.ge @!p0 [sflag:s8], $0x0  }
0x24: {  	s3 =	sadd.s32 $0x88, s3;
	s6 =	simm.s32 @!p1 $0x1082;
	[sflag:s4] =	ssyncset.s32 $0xFFFFF086  }
0x25: {  	[simem:s6], [sflag:s4] =	dma.local [hbm:s3], $0xF7A  }
0x26: {  	[smem:$0x3F90] =	sst s1;
	(tag) =	ssettag s2;
	_ =	strace s9  }
0x27: {  	s1 =	sld [smem:$0x3FA0]  }
0x28: {  	s2 =	sld [smem:$0x3FA1]  }
0x29: {  	s4 =	sld [smem:$0x3FA3]  }
0x2a: {  	p0 =	seq.s32 s5, $0x0;
	s5 =	sld [smem:$0x3FA4]  }
0x2b: {  	s6 =	sld [smem:$0x3FA5]  }
0x2c: {  	s7 =	sld [smem:$0x3FA6]  }
0x2d: {  	s3 =	simm.s32 $0x108;
	s8 =	sld [smem:$0x3FA7]  }
0x2e: {  	s3 =	simm.s32 @!p0 $0x1082;
	s9 =	sld [smem:$0x3FA8]  }
0x2f: {  	lr =	sadd.s32 s0, s3;
	s0 =	sld [smem:$0x3F9F]  }
0x30: {  	s3 =	sld [smem:$0x3FA2]  }
0x31: {  	[smem:$0x3FAB] =	sst s10  }
0x32: {  	s10 =	sld [smem:$0x3FA9];
	_ =	sdelay $0x3  }
0x33: {  	p0 =	seq.s32 s10, $0x1;
	s10 =	sld [smem:$0x3FAB];
	_ =	sdelay $0x3  }
0x34: {  	[smem:$0x3FAB] =	sst s10  }
0x35: {  	s10 =	sld [smem:$0x3FAA];
	_ =	sdelay $0x3  }
0x36: {  	p1 =	seq.s32 s10, $0x1;
	s10 =	sld [smem:$0x3FAB];
	_ =	sdelay $0x3  }
0x37: {  	[smem:$0x3FAB] =	sst s10  }
0x38: {  	s10 =	sld [smem:$0x3FAC]  }
0x39: {  	_ = 	snop;
	(pc) =	sbr.ind lr, $3  }
0x3a: {  	_ = 	snop  }
0x3b: {  	_ = 	snop  }
0x3c: {  	p2 =	seq.s32 s10, $0x1;
	s10 =	sld [smem:$0x3FAB]  }
0x3d: {  	_ =	shalt  }
0x3e: {  	_ =	shalt  }
0x3f: {  	_ =	shalt  }
0x40: {  	_ =	shalt  }
0x41: {  	_ =	shalt  }
0x42: {  	_ =	shalt  }
0x43: {  	_ =	shalt  }
0x44: {  	_ =	shalt  }
0x45: {  	_ =	shalt  }
0x46: {  	_ =	shalt  }
0x47: {  	_ =	shalt  }
0x48: {  	_ =	shalt  }
0x49: {  	_ =	shalt  }
0x4a: {  	_ =	shalt  }
0x4b: {  	_ =	shalt  }
0x4c: {  	_ =	shalt  }
0x4d: {  	_ =	shalt  }
0x4e: {  	_ =	shalt  }
0x4f: {  	_ =	shalt  }
0x50: {  	_ =	shalt  }
0x51: {  	_ =	shalt  }
0x52: {  	_ =	shalt  }
0x53: {  	_ =	shalt  }
0x54: {  	_ =	shalt  }
0x55: {  	_ =	shalt  }
0x56: {  	_ =	shalt  }
0x57: {  	_ =	shalt  }
0x58: {  	_ =	shalt  }
0x59: {  	_ =	shalt  }
0x5a: {  	_ =	shalt  }
0x5b: {  	_ =	shalt  }
0x5c: {  	_ =	shalt  }
0x5d: {  	_ =	shalt  }
0x5e: {  	_ =	shalt  }
0x5f: {  	_ =	shalt  }
0x60: {  	_ =	shalt  }
0x61: {  	_ =	shalt  }
0x62: {  	_ =	shalt  }
0x63: {  	_ =	shalt  }
0x64: {  	_ =	shalt  }
0x65: {  	_ =	shalt  }
0x66: {  	_ =	shalt  }
0x67: {  	_ =	shalt  }
0x68: {  	_ =	shalt  }
0x69: {  	_ =	shalt  }
0x6a: {  	_ =	shalt  }
0x6b: {  	_ =	shalt  }
0x6c: {  	_ =	shalt  }
0x6d: {  	_ =	shalt  }
0x6e: {  	_ =	shalt  }
0x6f: {  	_ =	shalt  }
0x70: {  	_ =	shalt  }
0x71: {  	_ =	shalt  }
0x72: {  	_ =	shalt  }
0x73: {  	_ =	shalt  }
0x74: {  	_ =	shalt  }
0x75: {  	_ =	shalt  }
0x76: {  	_ =	shalt  }
0x77: {  	_ =	shalt  }
0x78: {  	_ =	shalt  }
0x79: {  	_ =	shalt  }
0x7a: {  	_ =	shalt  }
0x7b: {  	_ =	shalt  }
0x7c: {  	_ =	shalt  }
0x7d: {  	_ =	shalt  }
0x7e: {  	_ =	shalt  }
0x7f: {  	_ =	shalt  }
0x80: {  	_ =	shalt  }
0x81: {  	_ =	shalt  }
0x82: {  	_ =	shalt  }
0x83: {  	_ =	shalt  }
0x84: {  	_ =	shalt  }
0x85: {  	_ =	shalt  }
0x86: {  	_ =	shalt  }
0x87: {  	_ =	shalt  }
.Lfunc_end0:
.L_simem_size_0:
called_computation.2_lowered:
.L_overlay_start_0:
0x88: {  	s2 =	sld [smem:$0x3FD9]  }
0x89: {  	s3 =	sld [smem:$0x3FFE];
	_ =	sdelay $0x1  }
0x8a: {  	s1 =	srdreg.scid  }
0x8b: {  	s0 =	sand.u32 $0x1, s1  }
0x8c: {  	s16 =	sshll.u32 s0, $0xA;
	s2 =	sadd.s32 s3, s2  }
0x8d: {  	s2 =	sadd.s32 s2, s16  }
0x8e: {  	[smem:$0x3FB7] =	sst s2  }
0x8f: {  	_ = 	snop  }
0x90: {  	(tm) =	ssettm $0x1  }
0x91: {  	s17 =	sld [smem:$0x3FFB];
	_ =	sdelay $0x3  }
0x92: {  	_ =	strace s17  }
0x93: {  	s2 =	sld [smem:$0x3FFC];
	_ =	sdelay $0x3  }
0x94: {  	_ =	strace s2  }
0x95: {  	s2 =	sld [smem:$0x3FFD];
	_ =	sdelay $0x3  }
0x96: {  	_ =	strace s2  }
0x97: {  	_ =	strace $0x8FFFFFFF  }
0x98: {  	s18 =	sld [smem:$0x3FDB];
	_ =	sdelay $0x1  }
0x99: {  	s19 =	simm.s32 $_scs_section_size  }
0x9a: {  	s4 =	simm.s32 $_size__tile_overlayer_lowered;
	s5 =	simm.s32 $_tile_overlayer_lowered  }
0x9b: {  	s22 =	simm.s32 $0x1BFF;
	s21 =	sshll.u32 s5, $0x1;
	s2 =	sadd.s32 s19, s18  }
0x9c: {  	s6 =	simm.s32 $0x0;
	s20 =	sshll.u32 s4, $0x1;
	s4 =	sadd.s32 s21, s2  }
0x9d: {  	[timem:s6], [sflag:s22] =	dma.local [hbm:s4], s20  }
0x9e: {  	_ =	swait.ge [sflag:s22], s20  }
0x9f: {  	s3 =	ssub.s32 $0x0, s20;
	[sflag:s22] =	ssyncset.done $0x0  }
0xa0: {  	[sflag:s22] =	ssyncadd.s32 s3;
	_ =	sdelay $0x1  }
0xa1: {  	s23 =	simm.s32 $0x1B8B  }
0xa2: {  	_ =	swait.ge [sflag:s23], $0x1  }
0xa3: {  	[sflag:s23] =	ssyncset.done $0x0  }
0xa4: {  	s25 =	simm.s32 $0x1B8E;
	s24 =	sld [smem:$0x3FFE];
	[sflag:s23] =	ssyncadd.s32 $0xFFFFFFFF  }
0xa5: {  	s26 =	simm.s32 $execute0_lowered;
	[smem:$0x3FD2] =	sst s25  }
0xa6: {  	s4 =	sshll.u32 s26, $0x1;
	_ =	strace $0x8000004C;
	[dreg:$0x1] =	wrdreg $0xFFFFFFFF  }
0xa7: {  	s28 =	simm.s32 $_size_execute0_lowered;
	s2 =	sadd.s32 s2, s4;
	[dreg:$0x0] =	wrdreg $0x0  }
0xa8: {  	s4 =	sshll.u32 s28, $0x1;
	[dreg:$0x2] =	wrdreg s2  }
0xa9: {  	[dreg:$0x3] =	wrdreg s4  }
0xaa: {  	[dreg:$0x4] =	wrdreg $0xC0  }
0xab: {  	_ =	task [dreg:s6], $0x5FFFF  }
0xac: {  	[dreg:$0x1] =	wrdreg $0xFFFFFFFF  }
0xad: {  	[dreg:$0x0] =	wrdreg $0x60  }
0xae: {  	[dreg:$0x2] =	wrdreg s24  }
0xaf: {  	[dreg:$0x3] =	wrdreg $0x0  }
0xb0: {  	[dreg:$0x4] =	wrdreg $0x9  }
0xb1: {  	_ =	task.clear_ibuf [dreg:s6], $0x5FFFF;
	_ =	strace $0x9000004C  }
0xb2: {  	s29 =	simm.s32 $0x9;
	_ =	strace $0x8000004E  }
0xb3: {  	_ =	swait.ge [sflag:s29], $0x1  }
0xb4: {  	[sflag:s29] =	ssyncadd.s32 $0xFFFFFFFF  }
0xb5: {  	_ =	strace $0x9000004E  }
0xb6: {  	_ =	sfence  }
0xb7: {  	s30 =	sld [smem:$0x0];
	_ =	sdelay $0x2  }
0xb8: {  	s31 =	sshll.u32 s1, $0xD;
	s1 =	sshrl.u32 s1, $0x2  }
0xb9: {  	s3 =	sand.u32 $0x4000, s31;
	s1 =	sadd.s32 s1, s30  }
0xba: {  	s0 =	sor.u32 s3, s0;
	s1 =	sshll.u32 s1, $0x11  }
0xbb: {  	s0 =	sor.u32 s1, s0  }
0xbc: {  	s0 =	sadd.s32 $0x8F2B, s0  }
0xbd: {  	[sflag:s0] =	ssyncadd.remote.s32 $0x1  }
0xbe: {  	_ =	sfence.sel $0xFFFF  }
0xbf: {  	[dreg:$0x0] =	wrdreg $0xFFFFFFFF;
	(pc) =	sbr.abs _section_cstart, $3  }
0xc0: {  	[dreg:$0x1] =	wrdreg $0xFFFFFFFF  }
0xc1: {  	_ =	task.clear_ibuf [dreg:s6], $0x2FFFF;
	_ =	strace $0x9FFFFFFF  }
0xc2: {  	(tm) =	ssettm $0x7FFFFFFF  }
0xc3: {  	_ =	shalt  }
tec
execute0_lowered:
.L_overlay_start_1:
0x0: {  	(tag) =	ssettag $0x1  }
0x1: {  	s5 =	rddreg [dreg:$0x0]  }
0x2: {  	s2 =	rddreg [dreg:$0x1]  }
0x3: {  	s0 =	srdreg.scid;
	s1 =	rddreg [dreg:$0x2];
	s3 =	simm.s32 $0x0  }
0x4: {  	s12 =	simm.s32 $0x1;
	s13 =	simm.s32 $0xC380;
	s6 =	sand.u32 $0x1, s0  }
0x5: {  	s14 =	simm.s32 $0xC580;
	s0 =	stileid.u32;
	s4 =	smul.u32 $0xC4000, s6  }
0x6: {  	s15 =	simm.s32 $0x200;
	s16 =	simm.s32 $0xC780;
	s7 =	smul.u32 $0xC400, s0  }
0x7: {  	s17 =	simm.s32 $0x0;
	[smem:$0x7FF] =	sst s3;
	s30 =	smul.u32 $0xC380, s0  }
0x8: {  	_ =	strace $0x8000004D;
	s8 =	smul.u32 $0x1870, s0;
	s11 =	ssub.s32 $0x2, s6  }
0x9: {  	s6 =	smul.u32 $0x18700, s6;
	s31 =	sshrl.u32 s11, $0x1;
	s4 =	sadd.s32 s7, s4  }
0xa: {  	s9 =	sshrl.u32 s30, $0x3;
	s8 =	sadd.s32 s8, s5;
	s11 =	ssub.s32 s11, s31  }
0xb: {  	s4 =	sshrl.u32 s4, $0x3;
	s9 =	sadd.s32 s9, s5;
	s8 =	sadd.s32 s6, s8  }
0xc: {  	s6 =	sadd.s32 s30, s2;
	s10 =	sadd.s32 s4, s5;
	s4 =	sadd.s32 $0x203E00, s5  }
0xd: {  	s5 =	sadd.s32 $0x64600, s9;
	s7 =	sadd.s32 $0x7CE00, s8;
	s8 =	smax.u32 s11, $0x1  }
0xe: {  	s11 =	simm.s32 $0xD780;
	s9 =	sadd.s32 $0x2600, s10;
	s10 =	sadd.s32 $0x33600, s10  }
.LBB2_1:
0xf: {  	[tilespmem:s11], [sflag:$0x1] =	stream.linear.gather [hbm4b:s5+s3], $0xC380, $0x38;
	[tilespmem:$0x19B00] =	vst v63  }
0x10: {  	_ =	swait.ge [sflag:s12], $0xC380  }
0x11: {  	[sflag:s12] =	ssyncset.done $0x0  }
0x12: {  	[sflag:s12] =	ssyncadd.s32 $0xFFFF3C80  }
0x13: {  	[spmem:s6] =	stream.linear.scatter [tilespmem:s11], [sflag:$0x1], $0xC380, $0x38;
	[tilespmem:$0x19B00] =	vst v63  }
0x14: {  	_ =	swait.ge [sflag:s12], $0xC380  }
0x15: {  	[sflag:s12] =	ssyncset.done $0x0  }
0x16: {  	[sflag:s12] =	ssyncadd.s32 $0xFFFF3C80  }
0x17: {  	s18 =	sadd.s32 $0x0, s10;
	[bflag:$0x0] =	sbarrier.arrive $0xFFFF  }
0x18: {  	[tilespmem:s13], [sflag:$0x1] =	stream.linear.gather [hbm4b:s18+s3], $0x200, $0x38;
	[tilespmem:$0x19B00] =	vst v63  }
0x19: {  	_ =	swait.ge [sflag:s12], $0x200  }
0x1a: {  	[sflag:s12] =	ssyncset.done $0x0  }
0x1b: {  	s31 =	sadd.s32 $0x0, s9;
	[sflag:s12] =	ssyncadd.s32 $0xFFFFFE00  }
0x1c: {  	[tilespmem:s14], [sflag:$0x1] =	stream.linear.gather [hbm4b:s31+s3], $0x200, $0x38;
	[tilespmem:$0x19B00] =	vst v63  }
0x1d: {  	_ =	swait.ge [sflag:s12], $0x200  }
0x1e: {  	[sflag:s12] =	ssyncset.done $0x0  }
0x1f: {  	[sflag:s12] =	ssyncadd.s32 $0xFFFFFE00  }
0x20: {  	[tilespmem:s16], [sflag:$0x1] =	stream.indirect.gather [hbm4b:s4+s15], $0x8, s13, s15, $0xb8;
	[tilespmem:$0x19B00] =	vst v63  }
0x21: {  	_ =	swait.ge [sflag:s12], $0x1000  }
0x22: {  	[sflag:s12] =	ssyncset.done $0x0  }
0x23: {  	[sflag:s12] =	ssyncadd.s32 $0xFFFFF000  }
0x24: {  	[spmem:s2] =	stream.indirect.scatter.add.f32 [tilespmem:s16], [sflag:$0x1], $0x8, s14, s15, $0xb8;
	[tilespmem:$0x19B00] =	vst v63  }
0x25: {  	_ =	swait.ge [sflag:s12], $0x1000  }
0x26: {  	s19 =	simm.s32 $0x80;
	s18 =	simm.s32 $0x40;
	[sflag:s12] =	ssyncset.done $0x0  }
.LBB2_2:
0x27: {  	s20 =	sadd.s32 s18, s10  }
0x28: {  	[sflag:s12] =	ssyncadd.s32 $0xFFFFF000;
	s21 =	smov.u32 s19;
	s22 =	sadd.s32 $0x40, s19  }
0x29: {  	[tilespmem:s13], [sflag:$0x1] =	stream.linear.gather [hbm4b:s20+s3], $0x200, $0x38;
	[tilespmem:$0x19B00] =	vst v63  }
0x2a: {  	p0 =	sne.s32 s19, $0x1840;
	_ =	swait.ge [sflag:s12], $0x200  }
0x2b: {  	[sflag:s12] =	ssyncset.done $0x0  }
0x2c: {  	s19 =	sadd.s32 s18, s9;
	s18 =	smov.u32 s21;
	[sflag:s12] =	ssyncadd.s32 $0xFFFFFE00  }
0x2d: {  	[tilespmem:s14], [sflag:$0x1] =	stream.linear.gather [hbm4b:s19+s3], $0x200, $0x38;
	[tilespmem:$0x19B00] =	vst v63  }
0x2e: {  	_ =	swait.ge [sflag:s12], $0x200  }
0x2f: {  	[sflag:s12] =	ssyncset.done $0x0  }
0x30: {  	[sflag:s12] =	ssyncadd.s32 $0xFFFFFE00  }
0x31: {  	[tilespmem:s16], [sflag:$0x1] =	stream.indirect.gather [hbm4b:s4+s15], $0x8, s13, s15, $0xb8;
	[tilespmem:$0x19B00] =	vst v63  }
0x32: {  	_ =	swait.ge [sflag:s12], $0x1000  }
.Ltmp0:
0x33: {  	[sflag:s12] =	ssyncset.done $0x0;
	(pc) =	sbr.rel @p0 .LBB2_2-.Ltmp0, $4  }
0x34: {  	[sflag:s12] =	ssyncadd.s32 $0xFFFFF000  }
0x35: {  	[spmem:s2] =	stream.indirect.scatter.add.f32 [tilespmem:s16], [sflag:$0x1], $0x8, s14, s15, $0xb8;
	[tilespmem:$0x19B00] =	vst v63  }
0x36: {  	_ =	swait.ge [sflag:s12], $0x1000  }
0x37: {  	s19 =	smov.u32 s22;
	[sflag:s12] =	ssyncset.done $0x0  }
0x38: {  	s19 =	sadd.s32 s18, s10;
	[sflag:s12] =	ssyncadd.s32 $0xFFFFF000  }
0x39: {  	[tilespmem:s13], [sflag:$0x1] =	stream.linear.gather [hbm4b:s19+s3], $0x200, $0x38;
	[tilespmem:$0x19B00] =	vst v63  }
0x3a: {  	_ =	swait.ge [sflag:s12], $0x200  }
0x3b: {  	[sflag:s12] =	ssyncset.done $0x0  }
0x3c: {  	s31 =	sadd.s32 s18, s9;
	[sflag:s12] =	ssyncadd.s32 $0xFFFFFE00  }
0x3d: {  	[tilespmem:s14], [sflag:$0x1] =	stream.linear.gather [hbm4b:s31+s3], $0x200, $0x38;
	[tilespmem:$0x19B00] =	vst v63  }
0x3e: {  	_ =	swait.ge [sflag:s12], $0x200  }
0x3f: {  	[sflag:s12] =	ssyncset.done $0x0  }
0x40: {  	[sflag:s12] =	ssyncadd.s32 $0xFFFFFE00  }
0x41: {  	[tilespmem:s16], [sflag:$0x1] =	stream.indirect.gather [hbm4b:s4+s15], $0x8, s13, s15, $0xb8;
	[tilespmem:$0x19B00] =	vst v63  }
0x42: {  	_ =	swait.ge [sflag:s12], $0x1000  }
0x43: {  	[sflag:s12] =	ssyncset.done $0x0  }
0x44: {  	[sflag:s12] =	ssyncadd.s32 $0xFFFFF000  }
0x45: {  	[spmem:s2] =	stream.indirect.scatter.add.f32 [tilespmem:s16], [sflag:$0x1], $0x8, s14, s15, $0xb8;
	[tilespmem:$0x19B00] =	vst v63  }
0x46: {  	_ =	swait.ge [sflag:s12], $0x1000  }
0x47: {  	[sflag:s12] =	ssyncset.done $0x0  }
0x48: {  	[sflag:s12] =	ssyncadd.s32 $0xFFFFF000  }
0x49: {  	[bflag:$0x0] =	sbarrier.arrive $0xFFFF  }
0x4a: {  	[tilespmem:s11], [sflag:$0x1] =	stream.linear.gather [spmem:s6], $0xC380, $0x38;
	[tilespmem:$0x19B00] =	vst v63  }
0x4b: {  	s17 =	sadd.s32 $0x1, s17;
	_ =	swait.ge [sflag:s12], $0xC380  }
0x4c: {  	p0 =	sne.s32 s17, s8;
	[sflag:s12] =	ssyncset.done $0x0  }
.Ltmp1:
0x4d: {  	[sflag:s12] =	ssyncadd.s32 $0xFFFF3C80;
	(pc) =	sbr.rel @p0 .LBB2_1-.Ltmp1, $4  }
0x4e: {  	[hbm4b:s7+s3] =	stream.linear.scatter [tilespmem:s11], [sflag:$0x1], $0xC380, $0x38;
	[tilespmem:$0x19B00] =	vst v63  }
0x4f: {  	_ =	swait.ge [sflag:s12], $0xC380  }
0x50: {  	[sflag:s12] =	ssyncset.done $0x0  }
0x51: {  	[sflag:s12] =	ssyncadd.s32 $0xFFFF3C80  }
0x52: {  	_ =	sfence.sel $0x180000  }
0x53: {  	[bflag:$0x0] =	sbarrier.arrive $0xFFFF  }
0x54: {  	p0 =	sne.s32 s0, $0x0;
	_ =	strace $0x9000004D  }
0x55: {  	s0 =	sadd.s32 @!p0 $0x100000, s1;
	[bflag:$0x2] =	sbarrier.arrive $0xFFFF  }
0x56: {  	[sflag:s0] =	ssyncadd.tile.s32 @!p0 $0x1;
	_ =	shalt  }
.Lfunc_end2:
_tile_overlayer_lowered:
.L_overlay_start_2:
0x57: {  	(tag) =	ssettag $0x2  }
0x58: {  	s0 =	rddreg [dreg:$0x0];
	s2 =	stileid.u32  }
0x59: {  	s1 =	rddreg [dreg:$0x1];
	p0 =	sne.s32 s2, $0x0  }
0x5a: {  	s3 =	rddreg [dreg:$0x2];
	[bflag:$0x3] =	sbarrier.arrive $0xFFFF;
	s2 =	simm.s32 @!p0 $0x1C01  }
0x5b: {  	[timem:s3], [sflag:s2] =	dma.local @!p0 [hbm:s0], s1  }
0x5c: {  	s0 =	simm.s32 @!p0 $0x1  }
0x5d: {  	_ =	swait.ge @!p0 [sflag:s0], s1  }
0x5e: {  	s1 =	ssub.s32 @!p0 $0x0, s1;
	[sflag:s0] =	ssyncset.done @!p0 $0x0  }
0x5f: {  	[sflag:s0] =	ssyncadd.s32 @!p0 s1  }
0x60: {  	[bflag:$0x3] =	sbarrier.arrive $0xFFFF  }
0x61: {  	_ =	shalt  }

// kernel: kernel.8.cloned.1.call-start
scs
__scs_entry_jumppad:
0x0: {  	(pc) =	sbr.rel $0x88, $3  }
0x1: {  	(tag) =	ssettag $0x0;
	lr =	simm.s32 $0x1  }
0x2: {  	[smem:$0x3F90] =	sst lr;
	_ =	strace $0xD0000000  }
0x3: {  	_ = 	snop  }
0x4: {  	_ = 	snop  }
0x5: {  	_ = 	snop  }
0x6: {  	_ = 	snop  }
0x7: {  	_ = 	snop  }
__scs_overlays_trampoline_lowered:
0x8: {  	[smem:$0x3F9F] =	sst s0  }
0x9: {  	[smem:$0x3FA0] =	sst s1  }
0xa: {  	[smem:$0x3FA1] =	sst s2  }
0xb: {  	[smem:$0x3FA2] =	sst s3  }
0xc: {  	[smem:$0x3FA3] =	sst s4  }
0xd: {  	[smem:$0x3FA4] =	sst s5  }
0xe: {  	[smem:$0x3FA5] =	sst s6  }
0xf: {  	[smem:$0x3FA6] =	sst s7  }
0x10: {  	[smem:$0x3FA7] =	sst s8  }
0x11: {  	[smem:$0x3FA8] =	sst s9;
	s0 =	simm.s32 @!p0 $0x0  }
0x12: {  	s1 =	sld [smem:$0x3F8E];
	s0 =	simm.s32 @p0 $0x1  }
0x13: {  	[smem:$0x3FA9] =	sst s0;
	s0 =	simm.s32 @!p1 $0x0  }
0x14: {  	s2 =	sld [smem:$0x3F8D];
	s0 =	simm.s32 @p1 $0x1  }
0x15: {  	[smem:$0x3FAA] =	sst s0;
	s0 =	simm.s32 @!p2 $0x0  }
0x16: {  	s3 =	sld [smem:$0x3FDB];
	s0 =	simm.s32 @p2 $0x1  }
0x17: {  	s4 =	simm.s32 $0x1BF5;
	[smem:$0x3FAC] =	sst s0  }
0x18: {  	s0 =	sld [smem:$0x3F8F];
	_ =	swait.ge [sflag:s4], $0x0  }
0x19: {  	s7 =	sld [smem:$0x3F90]  }
0x1a: {  	s8 =	sadd.s32 $0xFFFFE003, lr  }
0x1b: {  	s9 =	sadd.s32 $0xFFFFFEF7, lr;
	s5 =	simm.s32 $0xFFFFFFFF;
	p2 =	slt.u32 s8, $0xFFFFF086  }
0x1c: {  	p1 =	slt.u32 s9, $0xF7A;
	s5 =	simm.s32 @!p2 $0x0  }
0x1d: {  	s5 =	simm.s32 @p1 $0x1;
	p0 =	seq.s32 s7, s2  }
0x1e: {  	s7 =	smul.u32 @!p0 $0xF7A, s2;
	p2 =	seq.s32 @!p0 s5, $0x0  }
0x1f: {  	s9 =	smul.u32 $0xF7A, s1;
	s8 =	simm.s32 @!p0 $0x1BF5;
	p2 =	por !p2, p0  }
0x20: {  	[sflag:s8] =	ssyncset.s32 @!p0 $0xFFFFF086;
	s6 =	sadd.s32 @!p0 s3, s7;
	s7 =	simm.s32 @!p0 $0x108  }
0x21: {  	s3 =	sadd.s32 s3, s9;
	s6 =	sadd.s32 @!p0 $0x88, s6;
	s7 =	simm.s32 @p2 $0x1082  }
0x22: {  	[simem:s7], [sflag:s8] =	dma.local @!p0 [hbm:s6], $0xF7A  }
0x23: {  	s9 =	sor.u32 $0xD0000000, s2;
	s6 =	simm.s32 $0x108;
	_ =	swait.ge @!p0 [sflag:s8], $0x0  }
0x24: {  	s3 =	sadd.s32 $0x88, s3;
	s6 =	simm.s32 @!p1 $0x1082;
	[sflag:s4] =	ssyncset.s32 $0xFFFFF086  }
0x25: {  	[simem:s6], [sflag:s4] =	dma.local [hbm:s3], $0xF7A  }
0x26: {  	[smem:$0x3F90] =	sst s1;
	(tag) =	ssettag s2;
	_ =	strace s9  }
0x27: {  	s1 =	sld [smem:$0x3FA0]  }
0x28: {  	s2 =	sld [smem:$0x3FA1]  }
0x29: {  	s4 =	sld [smem:$0x3FA3]  }
0x2a: {  	p0 =	seq.s32 s5, $0x0;
	s5 =	sld [smem:$0x3FA4]  }
0x2b: {  	s6 =	sld [smem:$0x3FA5]  }
0x2c: {  	s7 =	sld [smem:$0x3FA6]  }
0x2d: {  	s3 =	simm.s32 $0x108;
	s8 =	sld [smem:$0x3FA7]  }
0x2e: {  	s3 =	simm.s32 @!p0 $0x1082;
	s9 =	sld [smem:$0x3FA8]  }
0x2f: {  	lr =	sadd.s32 s0, s3;
	s0 =	sld [smem:$0x3F9F]  }
0x30: {  	s3 =	sld [smem:$0x3FA2]  }
0x31: {  	[smem:$0x3FAB] =	sst s10  }
0x32: {  	s10 =	sld [smem:$0x3FA9];
	_ =	sdelay $0x3  }
0x33: {  	p0 =	seq.s32 s10, $0x1;
	s10 =	sld [smem:$0x3FAB];
	_ =	sdelay $0x3  }
0x34: {  	[smem:$0x3FAB] =	sst s10  }
0x35: {  	s10 =	sld [smem:$0x3FAA];
	_ =	sdelay $0x3  }
0x36: {  	p1 =	seq.s32 s10, $0x1;
	s10 =	sld [smem:$0x3FAB];
	_ =	sdelay $0x3  }
0x37: {  	[smem:$0x3FAB] =	sst s10  }
0x38: {  	s10 =	sld [smem:$0x3FAC]  }
0x39: {  	_ = 	snop;
	(pc) =	sbr.ind lr, $3  }
0x3a: {  	_ = 	snop  }
0x3b: {  	_ = 	snop  }
0x3c: {  	p2 =	seq.s32 s10, $0x1;
	s10 =	sld [smem:$0x3FAB]  }
0x3d: {  	_ =	shalt  }
0x3e: {  	_ =	shalt  }
0x3f: {  	_ =	shalt  }
0x40: {  	_ =	shalt  }
0x41: {  	_ =	shalt  }
0x42: {  	_ =	shalt  }
0x43: {  	_ =	shalt  }
0x44: {  	_ =	shalt  }
0x45: {  	_ =	shalt  }
0x46: {  	_ =	shalt  }
0x47: {  	_ =	shalt  }
0x48: {  	_ =	shalt  }
0x49: {  	_ =	shalt  }
0x4a: {  	_ =	shalt  }
0x4b: {  	_ =	shalt  }
0x4c: {  	_ =	shalt  }
0x4d: {  	_ =	shalt  }
0x4e: {  	_ =	shalt  }
0x4f: {  	_ =	shalt  }
0x50: {  	_ =	shalt  }
0x51: {  	_ =	shalt  }
0x52: {  	_ =	shalt  }
0x53: {  	_ =	shalt  }
0x54: {  	_ =	shalt  }
0x55: {  	_ =	shalt  }
0x56: {  	_ =	shalt  }
0x57: {  	_ =	shalt  }
0x58: {  	_ =	shalt  }
0x59: {  	_ =	shalt  }
0x5a: {  	_ =	shalt  }
0x5b: {  	_ =	shalt  }
0x5c: {  	_ =	shalt  }
0x5d: {  	_ =	shalt  }
0x5e: {  	_ =	shalt  }
0x5f: {  	_ =	shalt  }
0x60: {  	_ =	shalt  }
0x61: {  	_ =	shalt  }
0x62: {  	_ =	shalt  }
0x63: {  	_ =	shalt  }
0x64: {  	_ =	shalt  }
0x65: {  	_ =	shalt  }
0x66: {  	_ =	shalt  }
0x67: {  	_ =	shalt  }
0x68: {  	_ =	shalt  }
0x69: {  	_ =	shalt  }
0x6a: {  	_ =	shalt  }
0x6b: {  	_ =	shalt  }
0x6c: {  	_ =	shalt  }
0x6d: {  	_ =	shalt  }
0x6e: {  	_ =	shalt  }
0x6f: {  	_ =	shalt  }
0x70: {  	_ =	shalt  }
0x71: {  	_ =	shalt  }
0x72: {  	_ =	shalt  }
0x73: {  	_ =	shalt  }
0x74: {  	_ =	shalt  }
0x75: {  	_ =	shalt  }
0x76: {  	_ =	shalt  }
0x77: {  	_ =	shalt  }
0x78: {  	_ =	shalt  }
0x79: {  	_ =	shalt  }
0x7a: {  	_ =	shalt  }
0x7b: {  	_ =	shalt  }
0x7c: {  	_ =	shalt  }
0x7d: {  	_ =	shalt  }
0x7e: {  	_ =	shalt  }
0x7f: {  	_ =	shalt  }
0x80: {  	_ =	shalt  }
0x81: {  	_ =	shalt  }
0x82: {  	_ =	shalt  }
0x83: {  	_ =	shalt  }
0x84: {  	_ =	shalt  }
0x85: {  	_ =	shalt  }
0x86: {  	_ =	shalt  }
0x87: {  	_ =	shalt  }
.Lfunc_end0:
.L_simem_size_0:
called_computation_lowered:
.L_overlay_start_0:
0x88: {  	s2 =	sld [smem:$0x3FD9]  }
0x89: {  	s3 =	sld [smem:$0x3FFE];
	_ =	sdelay $0x1  }
0x8a: {  	s1 =	srdreg.scid  }
0x8b: {  	s0 =	sand.u32 $0x1, s1  }
0x8c: {  	s16 =	sshll.u32 s0, $0xA;
	s2 =	sadd.s32 s3, s2  }
0x8d: {  	s2 =	sadd.s32 s2, s16  }
0x8e: {  	[smem:$0x3FB7] =	sst s2  }
0x8f: {  	_ = 	snop  }
0x90: {  	(tm) =	ssettm $0x1  }
0x91: {  	s17 =	sld [smem:$0x3FFB];
	_ =	sdelay $0x3  }
0x92: {  	_ =	strace s17  }
0x93: {  	s2 =	sld [smem:$0x3FFC];
	_ =	sdelay $0x3  }
0x94: {  	_ =	strace s2  }
0x95: {  	s2 =	sld [smem:$0x3FFD];
	_ =	sdelay $0x3  }
0x96: {  	_ =	strace s2  }
0x97: {  	_ =	strace $0x8FFFFFFF  }
0x98: {  	s18 =	sld [smem:$0x3FDB];
	_ =	sdelay $0x1  }
0x99: {  	s19 =	simm.s32 $_scs_section_size  }
0x9a: {  	s4 =	simm.s32 $_size__tile_overlayer_lowered;
	s5 =	simm.s32 $_tile_overlayer_lowered  }
0x9b: {  	s22 =	simm.s32 $0x1BFF;
	s21 =	sshll.u32 s5, $0x1;
	s2 =	sadd.s32 s19, s18  }
0x9c: {  	s6 =	simm.s32 $0x0;
	s20 =	sshll.u32 s4, $0x1;
	s4 =	sadd.s32 s21, s2  }
0x9d: {  	[timem:s6], [sflag:s22] =	dma.local [hbm:s4], s20  }
0x9e: {  	_ =	swait.ge [sflag:s22], s20  }
0x9f: {  	s3 =	ssub.s32 $0x0, s20;
	[sflag:s22] =	ssyncset.done $0x0  }
0xa0: {  	[sflag:s22] =	ssyncadd.s32 s3;
	_ =	sdelay $0x1  }
0xa1: {  	s23 =	simm.s32 $0x1B8B  }
0xa2: {  	_ =	swait.ge [sflag:s23], $0x1  }
0xa3: {  	[sflag:s23] =	ssyncset.done $0x0  }
0xa4: {  	s25 =	simm.s32 $0x1B8E;
	s24 =	sld [smem:$0x3FFE];
	[sflag:s23] =	ssyncadd.s32 $0xFFFFFFFF  }
0xa5: {  	s26 =	simm.s32 $execute0_lowered;
	[smem:$0x3FD2] =	sst s25  }
0xa6: {  	s4 =	sshll.u32 s26, $0x1;
	_ =	strace $0x80000046;
	[dreg:$0x1] =	wrdreg $0xFFFFFFFF  }
0xa7: {  	s28 =	simm.s32 $_size_execute0_lowered;
	s2 =	sadd.s32 s2, s4;
	[dreg:$0x0] =	wrdreg $0x0  }
0xa8: {  	s4 =	sshll.u32 s28, $0x1;
	[dreg:$0x2] =	wrdreg s2  }
0xa9: {  	[dreg:$0x3] =	wrdreg s4  }
0xaa: {  	[dreg:$0x4] =	wrdreg $0xC0  }
0xab: {  	_ =	task [dreg:s6], $0x5FFFF  }
0xac: {  	[dreg:$0x1] =	wrdreg $0xFFFFFFFF  }
0xad: {  	[dreg:$0x0] =	wrdreg $0x60  }
0xae: {  	[dreg:$0x2] =	wrdreg s24  }
0xaf: {  	[dreg:$0x3] =	wrdreg $0x0  }
0xb0: {  	[dreg:$0x4] =	wrdreg $0x9  }
0xb1: {  	_ =	task.clear_ibuf [dreg:s6], $0x5FFFF;
	_ =	strace $0x90000046  }
0xb2: {  	s29 =	simm.s32 $0x9;
	_ =	strace $0x80000048  }
0xb3: {  	_ =	swait.ge [sflag:s29], $0x1  }
0xb4: {  	[sflag:s29] =	ssyncadd.s32 $0xFFFFFFFF  }
0xb5: {  	_ =	strace $0x90000048  }
0xb6: {  	_ =	sfence  }
0xb7: {  	s30 =	sld [smem:$0x0];
	_ =	sdelay $0x2  }
0xb8: {  	s31 =	sshll.u32 s1, $0xD;
	s1 =	sshrl.u32 s1, $0x2  }
0xb9: {  	s3 =	sand.u32 $0x4000, s31;
	s1 =	sadd.s32 s1, s30  }
0xba: {  	s0 =	sor.u32 s3, s0;
	s1 =	sshll.u32 s1, $0x11  }
0xbb: {  	s0 =	sor.u32 s1, s0  }
0xbc: {  	s0 =	sadd.s32 $0x8F2B, s0  }
0xbd: {  	[sflag:s0] =	ssyncadd.remote.s32 $0x1  }
0xbe: {  	_ =	sfence.sel $0xFFFF  }
0xbf: {  	[dreg:$0x0] =	wrdreg $0xFFFFFFFF;
	(pc) =	sbr.abs _section_cstart, $3  }
0xc0: {  	[dreg:$0x1] =	wrdreg $0xFFFFFFFF  }
0xc1: {  	_ =	task.clear_ibuf [dreg:s6], $0x2FFFF;
	_ =	strace $0x9FFFFFFF  }
0xc2: {  	(tm) =	ssettm $0x7FFFFFFF  }
0xc3: {  	_ =	shalt  }
tec
execute0_lowered:
.L_overlay_start_1:
0x0: {  	(tag) =	ssettag $0x1  }
0x1: {  	s4 =	rddreg [dreg:$0x0]  }
0x2: {  	s0 =	srdreg.scid;
	s2 =	rddreg [dreg:$0x1]  }
0x3: {  	s1 =	rddreg [dreg:$0x2];
	s5 =	sand.u32 $0x1, s0  }
0x4: {  	s3 =	simm.s32 $0x0;
	s0 =	stileid.u32;
	s6 =	smul.u32 $0xC4000, s5  }
0x5: {  	s11 =	simm.s32 $0x1870;
	s12 =	simm.s32 $0x200;
	s7 =	smul.u32 $0xC400, s0  }
0x6: {  	s13 =	simm.s32 $0x1A70;
	s14 =	simm.s32 $0x0;
	s8 =	smul.u32 $0x1870, s0  }
0x7: {  	[smem:$0x7FF] =	sst s3;
	s28 =	smul.u32 $0x18700, s5;
	s5 =	ssub.s32 $0x2, s5  }
0x8: {  	_ =	strace $0x80000047;
	s31 =	sshrl.u32 s5, $0x1;
	s6 =	sadd.s32 s7, s6  }
0x9: {  	s29 =	sadd.s32 s8, s28;
	s30 =	sshrl.u32 s8, $0x3;
	s6 =	sshrl.u32 s6, $0x3  }
0xa: {  	s10 =	ssub.s32 s5, s31;
	s9 =	sadd.s32 s6, s4;
	s6 =	sshrl.u32 s29, $0x3  }
0xb: {  	s5 =	sadd.s32 s8, s2;
	s7 =	sadd.s32 s30, s4;
	s6 =	sadd.s32 s6, s4  }
0xc: {  	s4 =	sadd.s32 $0x64600, s7;
	s7 =	smax.u32 s10, $0x1;
	s8 =	sadd.s32 $0x2600, s9  }
0xd: {  	v0 =	vimm.f32 $1.000000000e+00;
	s9 =	simm.s32 $0x1C70;
	s10 =	simm.s32 $0x1;
	s6 =	sadd.s32 $0x67800, s6  }
.LBB2_1:
0xe: {  	[tilespmem:$0x1A70] =	vst v0  }
0xf: {  	[tilespmem:$0x1A80] =	vst v0  }
0x10: {  	[tilespmem:$0x1A90] =	vst v0  }
0x11: {  	[tilespmem:$0x1AA0] =	vst v0  }
0x12: {  	[tilespmem:$0x1AB0] =	vst v0  }
0x13: {  	[tilespmem:$0x1AC0] =	vst v0  }
0x14: {  	[tilespmem:$0x1AD0] =	vst v0  }
0x15: {  	[tilespmem:$0x1AE0] =	vst v0  }
0x16: {  	[tilespmem:$0x1AF0] =	vst v0  }
0x17: {  	[tilespmem:$0x1B00] =	vst v0  }
0x18: {  	[tilespmem:$0x1B10] =	vst v0  }
0x19: {  	[tilespmem:$0x1B20] =	vst v0  }
0x1a: {  	[tilespmem:$0x1B30] =	vst v0  }
0x1b: {  	[tilespmem:$0x1B40] =	vst v0  }
0x1c: {  	[tilespmem:$0x1B50] =	vst v0  }
0x1d: {  	[tilespmem:$0x1B60] =	vst v0  }
0x1e: {  	[tilespmem:$0x1B70] =	vst v0  }
0x1f: {  	[tilespmem:$0x1B80] =	vst v0  }
0x20: {  	[tilespmem:$0x1B90] =	vst v0  }
0x21: {  	[tilespmem:$0x1BA0] =	vst v0  }
0x22: {  	[tilespmem:$0x1BB0] =	vst v0  }
0x23: {  	[tilespmem:$0x1BC0] =	vst v0  }
0x24: {  	[tilespmem:$0x1BD0] =	vst v0  }
0x25: {  	[tilespmem:$0x1BE0] =	vst v0  }
0x26: {  	[tilespmem:$0x1BF0] =	vst v0  }
0x27: {  	[tilespmem:$0x1C00] =	vst v0  }
0x28: {  	[tilespmem:$0x1C10] =	vst v0  }
0x29: {  	[tilespmem:$0x1C20] =	vst v0  }
0x2a: {  	[tilespmem:$0x1C30] =	vst v0  }
0x2b: {  	[tilespmem:$0x1C40] =	vst v0  }
0x2c: {  	[tilespmem:$0x1C50] =	vst v0  }
0x2d: {  	[tilespmem:$0x1C60] =	vst v0  }
0x2e: {  	[tilespmem:s9], [sflag:$0x1] =	stream.linear.gather [hbm4b:s4+s3], $0x1870, $0x38;
	[tilespmem:$0x34E0] =	vst v63  }
0x2f: {  	_ =	swait.ge [sflag:s10], $0x1870  }
0x30: {  	[sflag:s10] =	ssyncset.done $0x0  }
0x31: {  	[sflag:s10] =	ssyncadd.s32 $0xFFFFE790  }
0x32: {  	[spmem:s5] =	stream.linear.scatter [tilespmem:s9], [sflag:$0x1], $0x1870, $0x38;
	[tilespmem:$0x34E0] =	vst v63  }
0x33: {  	_ =	swait.ge [sflag:s10], $0x1870  }
0x34: {  	[sflag:s10] =	ssyncset.done $0x0  }
0x35: {  	[sflag:s10] =	ssyncadd.s32 $0xFFFFE790  }
0x36: {  	s15 =	sadd.s32 $0x0, s8;
	[bflag:$0x0] =	sbarrier.arrive $0xFFFF  }
0x37: {  	[tilespmem:s11], [sflag:$0x1] =	stream.linear.gather [hbm4b:s15+s3], $0x200, $0x38;
	[tilespmem:$0x34E0] =	vst v63  }
0x38: {  	_ =	swait.ge [sflag:s10], $0x200  }
0x39: {  	[sflag:s10] =	ssyncset.done $0x0  }
0x3a: {  	[sflag:s10] =	ssyncadd.s32 $0xFFFFFE00  }
0x3b: {  	[spmem:s2] =	stream.indirect.scatter.add.f32 [tilespmem:s13], [sflag:$0x1], $0x1, s11, s12, $0xb8;
	[tilespmem:$0x34E0] =	vst v63  }
0x3c: {  	_ =	swait.ge [sflag:s10], $0x200  }
0x3d: {  	s16 =	simm.s32 $0x80;
	s15 =	simm.s32 $0x40;
	[sflag:s10] =	ssyncset.done $0x0  }
.LBB2_2:
0x3e: {  	s17 =	sadd.s32 s15, s8  }
0x3f: {  	[sflag:s10] =	ssyncadd.s32 $0xFFFFFE00;
	s15 =	smov.u32 s16;
	s18 =	sadd.s32 $0x40, s16  }
0x40: {  	[tilespmem:s11], [sflag:$0x1] =	stream.linear.gather [hbm4b:s17+s3], $0x200, $0x38;
	[tilespmem:$0x34E0] =	vst v63  }
0x41: {  	p0 =	sne.s32 s16, $0x1840;
	_ =	swait.ge [sflag:s10], $0x200  }
.Ltmp0:
0x42: {  	[sflag:s10] =	ssyncset.done $0x0;
	(pc) =	sbr.rel @p0 .LBB2_2-.Ltmp0, $4  }
0x43: {  	[sflag:s10] =	ssyncadd.s32 $0xFFFFFE00  }
0x44: {  	[spmem:s2] =	stream.indirect.scatter.add.f32 [tilespmem:s13], [sflag:$0x1], $0x1, s11, s12, $0xb8;
	[tilespmem:$0x34E0] =	vst v63  }
0x45: {  	_ =	swait.ge [sflag:s10], $0x200  }
0x46: {  	s16 =	smov.u32 s18;
	[sflag:s10] =	ssyncset.done $0x0  }
0x47: {  	s15 =	sadd.s32 s15, s8;
	[sflag:s10] =	ssyncadd.s32 $0xFFFFFE00  }
0x48: {  	[tilespmem:s11], [sflag:$0x1] =	stream.linear.gather [hbm4b:s15+s3], $0x200, $0x38;
	[tilespmem:$0x34E0] =	vst v63  }
0x49: {  	_ =	swait.ge [sflag:s10], $0x200  }
0x4a: {  	[sflag:s10] =	ssyncset.done $0x0  }
0x4b: {  	[sflag:s10] =	ssyncadd.s32 $0xFFFFFE00  }
0x4c: {  	[spmem:s2] =	stream.indirect.scatter.add.f32 [tilespmem:s13], [sflag:$0x1], $0x1, s11, s12, $0xb8;
	[tilespmem:$0x34E0] =	vst v63  }
0x4d: {  	_ =	swait.ge [sflag:s10], $0x200  }
0x4e: {  	[sflag:s10] =	ssyncset.done $0x0  }
0x4f: {  	[sflag:s10] =	ssyncadd.s32 $0xFFFFFE00  }
0x50: {  	[bflag:$0x0] =	sbarrier.arrive $0xFFFF  }
0x51: {  	[tilespmem:s9], [sflag:$0x1] =	stream.linear.gather [spmem:s5], $0x1870, $0x38;
	[tilespmem:$0x34E0] =	vst v63  }
0x52: {  	s14 =	sadd.s32 $0x1, s14;
	_ =	swait.ge [sflag:s10], $0x1870  }
0x53: {  	p0 =	sne.s32 s14, s7;
	[sflag:s10] =	ssyncset.done $0x0  }
.Ltmp1:
0x54: {  	[sflag:s10] =	ssyncadd.s32 $0xFFFFE790;
	(pc) =	sbr.rel @p0 .LBB2_1-.Ltmp1, $4  }
0x55: {  	[hbm4b:s6+s3] =	stream.linear.scatter [tilespmem:s9], [sflag:$0x1], $0x1870, $0x38;
	[tilespmem:$0x34E0] =	vst v63  }
0x56: {  	_ =	swait.ge [sflag:s10], $0x1870  }
0x57: {  	[sflag:s10] =	ssyncset.done $0x0  }
0x58: {  	[sflag:s10] =	ssyncadd.s32 $0xFFFFE790  }
0x59: {  	_ =	sfence.sel $0x180000  }
0x5a: {  	[bflag:$0x0] =	sbarrier.arrive $0xFFFF  }
0x5b: {  	p0 =	sne.s32 s0, $0x0;
	_ =	strace $0x90000047  }
0x5c: {  	s0 =	sadd.s32 @!p0 $0x100000, s1;
	[bflag:$0x2] =	sbarrier.arrive $0xFFFF  }
0x5d: {  	[sflag:s0] =	ssyncadd.tile.s32 @!p0 $0x1;
	_ =	shalt  }
.Lfunc_end2:
_tile_overlayer_lowered:
.L_overlay_start_2:
0x5e: {  	(tag) =	ssettag $0x2  }
0x5f: {  	s0 =	rddreg [dreg:$0x0];
	s2 =	stileid.u32  }
0x60: {  	s1 =	rddreg [dreg:$0x1];
	p0 =	sne.s32 s2, $0x0  }
0x61: {  	s3 =	rddreg [dreg:$0x2];
	[bflag:$0x3] =	sbarrier.arrive $0xFFFF;
	s2 =	simm.s32 @!p0 $0x1C01  }
0x62: {  	[timem:s3], [sflag:s2] =	dma.local @!p0 [hbm:s0], s1  }
0x63: {  	s0 =	simm.s32 @!p0 $0x1  }
0x64: {  	_ =	swait.ge @!p0 [sflag:s0], s1  }
0x65: {  	s1 =	ssub.s32 @!p0 $0x0, s1;
	[sflag:s0] =	ssyncset.done @!p0 $0x0  }
0x66: {  	[sflag:s0] =	ssyncadd.s32 @!p0 s1  }
0x67: {  	[bflag:$0x3] =	sbarrier.arrive $0xFFFF  }
0x68: {  	_ =	shalt  }

</sc_bundles>
